<compile_context>
chip_gen: v7x
topology: tpu7x:2x2x1
jax: 0.10.2.dev20260603
libtpu: 0.0.44.dev20260713+nightly
codegen_flags: <defaults>
</compile_context>

<pallas_src>
import jax
import jax.numpy as jnp
from jax import lax
from jax.experimental import pallas as pl
from jax.experimental.pallas import tpu as pltpu
from jax.experimental.pallas import tpu_sc as plsc

B = 16384
L = 200
D = 16
V = 1000000
NW = 32
BPW = B // NW
CE = 16
CROWS = CE * L
NSTREAM = CROWS // 128
NCHUNK = BPW // CE
IDXROWS = B * L // 128
IDXROWS_PW = IDXROWS // NW

SH_R = 1024
SH_FULL = 976
SH_TRIPS = 32
OUT_ROWS = V * D // 128


def _shuffle_body(embt_hbm, tail_hbm, out_hbm,
                  st0, st1, ob0, ob1, tb, isem0, isem1, osem0, osem1):
  info = plsc.get_sparse_core_info()
  nc = info.num_cores
  wid = lax.axis_index("s") * nc + lax.axis_index("c")
  stride16 = lax.iota(jnp.int32, 16) * 16

  def fire_in(i, st, isem):
    c = wid + 32 * i
    pltpu.async_copy(embt_hbm.at[:, pl.ds(c * SH_R, SH_R)], st, isem)

  def shuffle(st, ob, nrows):
    @plsc.parallel_loop(0, nrows // 16, unroll=2)
    def _(t):
      rr0 = t * 16
      base = stride16 + rr0 * 16
      for d in range(D):
        val = st[d, pl.ds(rr0, 16)]
        plsc.store_scatter(ob, [base + d], val)

  fire_in(0, st0, isem0)
  fire_in(1, st1, isem1)

  def loop_body(i0, carry):
    for bsel, (st, ob, isem, osem) in enumerate(
        ((st0, ob0, isem0, osem0), (st1, ob1, isem1, osem1))):
      i = i0 * 2 + bsel
      c = wid + 32 * i

      @pl.when(c < SH_FULL)
      def _():
        pltpu.make_async_copy(
            embt_hbm.at[:, pl.ds(0, SH_R)], st, isem).wait()

        @pl.when(i >= 2)
        def _():
          pltpu.make_async_copy(
              ob, out_hbm.at[pl.ds(0, SH_R * D)], osem).wait()
        shuffle(st, ob, SH_R)

        @pl.when(c + 64 < SH_FULL)
        def _():
          fire_in(i + 2, st, isem)
        pltpu.async_copy(ob, out_hbm.at[pl.ds(c * (SH_R * D), SH_R * D)],
                         osem)
    return carry

  lax.fori_loop(0, SH_TRIPS // 2, loop_body, 0)
  pltpu.make_async_copy(ob0, out_hbm.at[pl.ds(0, SH_R * D)], osem0).wait()
  pltpu.make_async_copy(ob1, out_hbm.at[pl.ds(0, SH_R * D)], osem1).wait()

  @pl.when(wid == 16)
  def _():
    pltpu.async_copy(
        embt_hbm.at[:, pl.ds(SH_FULL * SH_R, 512)],
        st0.at[:, pl.ds(0, 512)], isem0)
    pltpu.make_async_copy(
        embt_hbm.at[:, pl.ds(0, 512)], st0.at[:, pl.ds(0, 512)],
        isem0).wait()
    shuffle(st0, ob0, 512)
    pltpu.sync_copy(ob0.at[pl.ds(0, 512 * D)],
                    out_hbm.at[pl.ds(SH_FULL * (SH_R * D), 512 * D)])

  @pl.when(wid == 17)
  def _():
    pltpu.sync_copy(tail_hbm, tb)
    pltpu.sync_copy(tb, out_hbm.at[pl.ds(V * D - 1024, 1024)])


@jax.jit
def _sc_shuffle(embt, tail):
  mesh = plsc.VectorSubcoreMesh(core_axis_name="c", subcore_axis_name="s")
  k = pl.kernel(
      _shuffle_body,
      out_type=jax.ShapeDtypeStruct((V * D,), jnp.float32),
      mesh=mesh,
      scratch_types=[
          pltpu.VMEM((D, SH_R), jnp.float32),
          pltpu.VMEM((D, SH_R), jnp.float32),
          pltpu.VMEM((SH_R * D,), jnp.float32),
          pltpu.VMEM((SH_R * D,), jnp.float32),
          pltpu.VMEM((1024,), jnp.float32),
          pltpu.SemaphoreType.DMA,
          pltpu.SemaphoreType.DMA,
          pltpu.SemaphoreType.DMA,
          pltpu.SemaphoreType.DMA,
      ],
      compiler_params=pltpu.CompilerParams(
          use_tc_tiling_on_sc=True, needs_layout_passes=False),
  )
  return k(embt, tail)


def _sc_pool_body(x_hbm, emb_hbm, out_hbm,
                  idx_v0, idx_v1, rows_v0, rows_v1, pooled_v,
                  sem0, sem1, isem0, isem1):
  info = plsc.get_sparse_core_info()
  nc = info.num_cores
  wid = lax.axis_index("s") * nc + lax.axis_index("c")
  inv = jnp.float32(1.0 / L)
  zero = jnp.zeros((16,), jnp.float32)

  def fire_idx(g, idx_v, isem):
    row0 = wid * IDXROWS_PW + g * NSTREAM
    pltpu.async_copy(x_hbm.at[pl.ds(row0, NSTREAM)], idx_v, isem)

  def fire(idx_v, rows_v, sem, isem):
    pltpu.make_async_copy(x_hbm.at[pl.ds(0, NSTREAM)], idx_v, isem).wait()
    for j in range(NSTREAM):
      pltpu.async_copy(
          emb_hbm.at[idx_v.at[j]], rows_v.at[pl.ds(j * 128, 128)], sem)

  def drain(rows_v, sem):
    pltpu.make_async_copy(emb_hbm.at[pl.ds(0, CROWS)], rows_v, sem).wait()

  def accumulate(g, rows_v):
    for e in range(CE):
      @plsc.parallel_loop(0, L // 8, unroll=2, carry=(zero,) * 8)
      def a(jj, accs, base=e * L):
        o = base + jj * 8
        return tuple(x + rows_v[o + u] for u, x in enumerate(accs))
      s = ((a[0] + a[1]) + (a[2] + a[3])) + ((a[4] + a[5]) + (a[6] + a[7]))
      pooled_v[g * CE + e] = s * inv

  fire_idx(0, idx_v0, isem0)
  fire_idx(1, idx_v1, isem1)
  fire(idx_v0, rows_v0, sem0, isem0)
  fire(idx_v1, rows_v1, sem1, isem1)

  def loop_body(g0, carry):
    for bsel, (idx_v, rows_v, sem, isem) in enumerate(
        ((idx_v0, rows_v0, sem0, isem0), (idx_v1, rows_v1, sem1, isem1))):
      g = g0 * 2 + bsel
      drain(rows_v, sem)

      @pl.when(g < NCHUNK - 2)
      def _():
        fire_idx(g + 2, idx_v, isem)
      accumulate(g, rows_v)

      @pl.when(g < NCHUNK - 2)
      def _():
        fire(idx_v, rows_v, sem, isem)
    return carry

  lax.fori_loop(0, NCHUNK // 2, loop_body, 0)
  pltpu.sync_copy(pooled_v, out_hbm.at[pl.ds(wid * BPW, BPW)])


@jax.jit
def _sc_pool(x2, emb_lin):
  mesh = plsc.VectorSubcoreMesh(core_axis_name="c", subcore_axis_name="s")
  k = pl.kernel(
      _sc_pool_body,
      out_type=jax.ShapeDtypeStruct((B, D), jnp.float32),
      mesh=mesh,
      scratch_types=[
          pltpu.VMEM((NSTREAM, 128), jnp.int32),
          pltpu.VMEM((NSTREAM, 128), jnp.int32),
          pltpu.VMEM((CROWS, D), jnp.float32),
          pltpu.VMEM((CROWS, D), jnp.float32),
          pltpu.VMEM((BPW, D), jnp.float32),
          pltpu.SemaphoreType.DMA,
          pltpu.SemaphoreType.DMA,
          pltpu.SemaphoreType.DMA,
          pltpu.SemaphoreType.DMA,
      ],
      compiler_params=pltpu.CompilerParams(use_tc_tiling_on_sc=False),
  )
  return k(x2, emb_lin)


def _mlp_body(p_ref, w1_ref, b1_ref, w2_ref, b2_ref, o_ref):
  h = jnp.dot(p_ref[...], w1_ref[...], preferred_element_type=jnp.float32)
  h = jnp.maximum(h + b1_ref[...], 0.0)
  o_ref[...] = (
      jnp.dot(h, w2_ref[...], preferred_element_type=jnp.float32)
      + b2_ref[...])


@jax.jit
def _mlp(pooled, W1, b1, W2, b2):
  bt = 512
  grid = (B // bt,)
  return pl.pallas_call(
      _mlp_body,
      grid=grid,
      in_specs=[
          pl.BlockSpec((bt, D), lambda i: (i, 0)),
          pl.BlockSpec((D, 200), lambda i: (0, 0)),
          pl.BlockSpec((1, 200), lambda i: (0, 0)),
          pl.BlockSpec((200, 128), lambda i: (0, 0)),
          pl.BlockSpec((1, 128), lambda i: (0, 0)),
      ],
      out_specs=pl.BlockSpec((bt, 128), lambda i: (i, 0)),
      out_shape=jax.ShapeDtypeStruct((B, 128), jnp.float32),
  )(pooled, W1, b1, W2, b2)


def kernel(x, emb, W1, b1, W2, b2):
  x2 = x.reshape(IDXROWS, 128)
  embt = emb.T
  tail = emb[V - 64:].reshape(1024)
  emb_lin = _sc_shuffle(embt, tail).reshape(V, D)
  pooled = _sc_pool(x2, emb_lin)
  return _mlp(pooled, W1, b1.reshape(1, 200), W2, b2.reshape(1, 128))

# --- scband reference (transcript-rebuilt; emitter-appended) ---
"""Pipeline reference for scband-model-40269613367504 (READ-ONLY COPY).

The authoritative reference and input builder live on the scoring server;
editing this copy changes nothing except your own understanding.
"""

import jax, jax.numpy as jnp
import numpy as np

NUM_VOCAB = 1000000
NUM_CLASS = 128
EMBED_DIM = 16
HIDDEN = 200
BATCH = 16384
HIST = 200

def setup_inputs(seed: int = 0) -> dict:
    key = jax.random.key(seed)
    k_x, k_emb, k_w1, k_b1, k_w2, k_b2 = jax.random.split(key, 6)
    x = jax.random.randint(k_x, (BATCH, HIST), 0, NUM_VOCAB, dtype=jnp.int64 if jax.config.jax_enable_x64 else jnp.int32).astype(jnp.int32)
    emb = jax.random.normal(k_emb, (NUM_VOCAB, EMBED_DIM), dtype=jnp.float32)
    # fc1: Linear(16, 200); store as (in, out) for x @ W
    W1 = jax.random.normal(k_w1, (EMBED_DIM, HIDDEN), dtype=jnp.float32) * (1.0 / np.sqrt(EMBED_DIM))
    b1 = jax.random.normal(k_b1, (HIDDEN,), dtype=jnp.float32) * 0.01
    # fc2: Linear(200, num_class)
    W2 = jax.random.normal(k_w2, (HIDDEN, NUM_CLASS), dtype=jnp.float32) * (1.0 / np.sqrt(HIDDEN))
    b2 = jax.random.normal(k_b2, (NUM_CLASS,), dtype=jnp.float32) * 0.01
    return {"x": x, "emb": emb, "W1": W1, "b1": b1, "W2": W2, "b2": b2}

def reference(x, emb, W1, b1, W2, b2):
    # embedding lookup -> gather
    h = jnp.take(emb, x, axis=0)            # [B, L, 16]
    h = h.mean(axis=1)                      # [B, 16]
    h = jnp.maximum(h @ W1 + b1, 0.0)       # ReLU(fc1)
    # dropout is identity in eval mode
    out = h @ W2 + b2                       # fc2
    return out

if __name__ == "__main__":
    import jax
    _d = setup_inputs()
    print(jax.jit(kernel)(*tuple(_d.values())))

</pallas_src>

<mosaic_0001>
#map = affine_map<(d0, d1) -> (0, 0)>
#map1 = affine_map<(d0, d1) -> (0)>
module attributes {stable_mosaic.version = 14 : i64} {
  func.func @_shuffle_body(%arg0: i32, %arg1: i32, %arg2: memref<16x1000000xf32, #tpu.memory_space<hbm>>, %arg3: memref<1024xf32, #tpu.memory_space<hbm>>, %arg4: memref<16000000xf32, #tpu.memory_space<hbm>>, %arg5: memref<16x1024xf32, #tpu.memory_space<vmem>>, %arg6: memref<16x1024xf32, #tpu.memory_space<vmem>>, %arg7: memref<16384xf32, #tpu.memory_space<vmem>>, %arg8: memref<16384xf32, #tpu.memory_space<vmem>>, %arg9: memref<1024xf32, #tpu.memory_space<vmem>>, %arg10: memref<!tpu.dma_semaphore, #tpu.memory_space<semaphore_mem>>, %arg11: memref<!tpu.dma_semaphore, #tpu.memory_space<semaphore_mem>>, %arg12: memref<!tpu.dma_semaphore, #tpu.memory_space<semaphore_mem>>, %arg13: memref<!tpu.dma_semaphore, #tpu.memory_space<semaphore_mem>>) attributes {dimension_semantics = [#tpu.dimension_semantics<core_parallel>, #tpu.dimension_semantics<subcore_parallel>], iteration_bounds = array<i64: 2, 16>, scalar_prefetch = 0 : i64, scratch_operands = 9 : i64, tpu.core_type = #tpu.core_type<sc_vector_subcore>, window_params = [{transform_indices = #map}, {transform_indices = #map1}, {transform_indices = #map1}]} {
    %mul3A = arith.constant 2 : i32
    %mul3A_0 = arith.muli %arg1, %mul3A : i32
    %add3A = arith.addi %mul3A_0, %arg0 : i32
    %iota3A = tpu.iota {dimensions = array<i32: 0>} : vector<16xi32>
    %mul3A_1 = arith.constant 16 : i32
    %mul3A_2 = vector.broadcast %mul3A_1 : i32 to vector<16xi32>
    %mul3A_3 = arith.muli %iota3A, %mul3A_2 : vector<16xi32>
    %add3A_4 = arith.constant 0 : i32
    %add3A_5 = arith.addi %add3A, %add3A_4 : i32
    %mul3A_6 = arith.constant 1024 : i32
    %mul3A_7 = arith.muli %add3A_5, %mul3A_6 : i32
    %dma_start3A = arith.constant 0 : i32
    %dma_start3A_8 = tpu.memref_slice %arg2[%dma_start3A, %mul3A_7] : memref<16x1000000xf32, #tpu.memory_space<hbm>> -> memref<16x1024xf32, #tpu.memory_space<hbm>>
    %dma_start3A_9 = arith.constant 0 : i32
    %dma_start3A_10 = tpu.memref_slice %arg2[%dma_start3A_9, %mul3A_7] : memref<16x1000000xf32, #tpu.memory_space<hbm>> -> memref<16x1024xf32, #tpu.memory_space<hbm>>
    tpu.enqueue_dma source(%dma_start3A_10 : memref<16x1024xf32, #tpu.memory_space<hbm>>) target(%arg5 : memref<16x1024xf32, #tpu.memory_space<vmem>>) target_semaphore(%arg10 : memref<!tpu.dma_semaphore, #tpu.memory_space<semaphore_mem>>)
    %add3A_11 = arith.constant 32 : i32
    %add3A_12 = arith.addi %add3A, %add3A_11 : i32
    %mul3A_13 = arith.constant 1024 : i32
    %mul3A_14 = arith.muli %add3A_12, %mul3A_13 : i32
    %dma_start3A_15 = arith.constant 0 : i32
    %dma_start3A_16 = tpu.memref_slice %arg2[%dma_start3A_15, %mul3A_14] : memref<16x1000000xf32, #tpu.memory_space<hbm>> -> memref<16x1024xf32, #tpu.memory_space<hbm>>
    %dma_start3A_17 = arith.constant 0 : i32
    %dma_start3A_18 = tpu.memref_slice %arg2[%dma_start3A_17, %mul3A_14] : memref<16x1000000xf32, #tpu.memory_space<hbm>> -> memref<16x1024xf32, #tpu.memory_space<hbm>>
    tpu.enqueue_dma source(%dma_start3A_18 : memref<16x1024xf32, #tpu.memory_space<hbm>>) target(%arg6 : memref<16x1024xf32, #tpu.memory_space<vmem>>) target_semaphore(%arg11 : memref<!tpu.dma_semaphore, #tpu.memory_space<semaphore_mem>>)
    %scan3A = arith.constant 0 : i32
    %scan3A_19 = arith.constant 0 : i32
    %scan3A_20 = arith.constant 16 : i32
    %scan3A_21 = arith.addi %scan3A_19, %scan3A_20 : i32
    %scan3A_22 = arith.constant 1 : i32
    scf.for %scan3A_38 = %scan3A_19 to %scan3A_21 step %scan3A_22  : i32 {
      %mul3A_39 = arith.constant 2 : i32
      %mul3A_40 = arith.muli %scan3A_38, %mul3A_39 : i32
      %add3A_41 = arith.constant 0 : i32
      %add3A_42 = arith.addi %mul3A_40, %add3A_41 : i32
      %mul3A_43 = arith.constant 32 : i32
      %mul3A_44 = arith.muli %mul3A_43, %add3A_42 : i32
      %add3A_45 = arith.addi %add3A, %mul3A_44 : i32
      %lt3A = arith.constant 976 : i32
      %lt3A_46 = arith.cmpi slt, %add3A_45, %lt3A : i32
      %convert_element_type3A_47 = arith.extui %lt3A_46 : i1 to i32
      %cond3A_48 = arith.constant 0 : i32
      %cond3A_49 = arith.cmpi ne, %convert_element_type3A_47, %cond3A_48 : i32
      scf.if %cond3A_49 {
        %dma_wait3A_62 = arith.constant 0 : i32
        %dma_wait3A_63 = arith.constant 0 : i32
        %dma_wait3A_64 = tpu.memref_slice %arg2[%dma_wait3A_62, %dma_wait3A_63] : memref<16x1000000xf32, #tpu.memory_space<hbm>> -> memref<16x1024xf32, #tpu.memory_space<hbm>>
        %dma_wait3A_65 = arith.constant 0 : i32
        %dma_wait3A_66 = arith.constant 0 : i32
        %dma_wait3A_67 = tpu.memref_slice %arg2[%dma_wait3A_65, %dma_wait3A_66] : memref<16x1000000xf32, #tpu.memory_space<hbm>> -> memref<16x1024xf32, #tpu.memory_space<hbm>>
        tpu.wait_dma2 semaphore(%arg10 : memref<!tpu.dma_semaphore, #tpu.memory_space<semaphore_mem>>) src(%dma_wait3A_67 : memref<16x1024xf32, #tpu.memory_space<hbm>>) dst(%arg5 : memref<16x1024xf32, #tpu.memory_space<vmem>>)
        %ge3A = arith.constant 2 : i32
        %ge3A_68 = arith.cmpi sge, %add3A_42, %ge3A : i32
        %convert_element_type3A_69 = arith.extui %ge3A_68 : i1 to i32
        %cond3A_70 = arith.constant 0 : i32
        %cond3A_71 = arith.cmpi ne, %convert_element_type3A_69, %cond3A_70 : i32
        scf.if %cond3A_71 {
          %dma_wait3A_85 = arith.constant 0 : i32
          %dma_wait3A_86 = tpu.memref_slice %arg4[%dma_wait3A_85] : memref<16000000xf32, #tpu.memory_space<hbm>> -> memref<16384xf32, #tpu.memory_space<hbm>>
          %dma_wait3A_87 = arith.constant 0 : i32
          %dma_wait3A_88 = tpu.memref_slice %arg4[%dma_wait3A_87] : memref<16000000xf32, #tpu.memory_space<hbm>> -> memref<16384xf32, #tpu.memory_space<hbm>>
          tpu.wait_dma2 semaphore(%arg12 : memref<!tpu.dma_semaphore, #tpu.memory_space<semaphore_mem>>) src(%arg7 : memref<16384xf32, #tpu.memory_space<vmem>>) dst(%dma_wait3A_88 : memref<16384xf32, #tpu.memory_space<hbm>>)
        } else {
        }
        %parallel_loop3A = arith.constant 0 : i32
        %parallel_loop3A_72 = arith.constant 64 : i32
        %parallel_loop3A_73 = arith.constant 1 : i32
        scf.for %parallel_loop3A_85 = %parallel_loop3A to %parallel_loop3A_72 step %parallel_loop3A_73  : i32 {
          %parallel_loop3A_86 = arith.constant 16 : i32
          %parallel_loop3A_87 = arith.muli %parallel_loop3A_85, %parallel_loop3A_86 : i32
          %parallel_loop3A_88 = arith.constant 16 : i32
          %parallel_loop3A_89 = arith.muli %parallel_loop3A_87, %parallel_loop3A_88 : i32
          %parallel_loop3A_90 = vector.broadcast %parallel_loop3A_89 : i32 to vector<16xi32>
          %parallel_loop3A_91 = arith.addi %mul3A_3, %parallel_loop3A_90 : vector<16xi32>
          %parallel_loop3A_92 = arith.constant 0 : i32
          %parallel_loop3A_93 = arith.index_cast %parallel_loop3A_92 : i32 to index
          %parallel_loop3A_94 = arith.index_cast %parallel_loop3A_87 : i32 to index
          %parallel_loop3A_95 = tpu.vector_load %arg5[%parallel_loop3A_93, %parallel_loop3A_94] {strides = array<i32>} : memref<16x1024xf32, #tpu.memory_space<vmem>>, vector<16xf32>,
          %parallel_loop3A_96 = arith.constant 0 : i32
          %parallel_loop3A_97 = vector.broadcast %parallel_loop3A_96 : i32 to vector<16xi32>
          %parallel_loop3A_98 = arith.addi %parallel_loop3A_91, %parallel_loop3A_97 : vector<16xi32>
          tpu.vector_store_idx %arg7[%parallel_loop3A_98], %parallel_loop3A_95 : memref<16384xf32, #tpu.memory_space<vmem>>[vector<16xi32>], vector<16xf32>,
          %parallel_loop3A_99 = arith.constant 1 : i32
          %parallel_loop3A_100 = arith.index_cast %parallel_loop3A_99 : i32 to index
          %parallel_loop3A_101 = arith.index_cast %parallel_loop3A_87 : i32 to index
          %parallel_loop3A_102 = tpu.vector_load %arg5[%parallel_loop3A_100, %parallel_loop3A_101] {strides = array<i32>} : memref<16x1024xf32, #tpu.memory_space<vmem>>, vector<16xf32>,
          %parallel_loop3A_103 = arith.constant 1 : i32
          %parallel_loop3A_104 = vector.broadcast %parallel_loop3A_103 : i32 to vector<16xi32>
          %parallel_loop3A_105 = arith.addi %parallel_loop3A_91, %parallel_loop3A_104 : vector<16xi32>
          tpu.vector_store_idx %arg7[%parallel_loop3A_105], %parallel_loop3A_102 : memref<16384xf32, #tpu.memory_space<vmem>>[vector<16xi32>], vector<16xf32>,
          %parallel_loop3A_106 = arith.constant 2 : i32
          %parallel_loop3A_107 = arith.index_cast %parallel_loop3A_106 : i32 to index
          %parallel_loop3A_108 = arith.index_cast %parallel_loop3A_87 : i32 to index
          %parallel_loop3A_109 = tpu.vector_load %arg5[%parallel_loop3A_107, %parallel_loop3A_108] {strides = array<i32>} : memref<16x1024xf32, #tpu.memory_space<vmem>>, vector<16xf32>,
          %parallel_loop3A_110 = arith.constant 2 : i32
          %parallel_loop3A_111 = vector.broadcast %parallel_loop3A_110 : i32 to vector<16xi32>
          %parallel_loop3A_112 = arith.addi %parallel_loop3A_91, %parallel_loop3A_111 : vector<16xi32>
          tpu.vector_store_idx %arg7[%parallel_loop3A_112], %parallel_loop3A_109 : memref<16384xf32, #tpu.memory_space<vmem>>[vector<16xi32>], vector<16xf32>,
          %parallel_loop3A_113 = arith.constant 3 : i32
          %parallel_loop3A_114 = arith.index_cast %parallel_loop3A_113 : i32 to index
          %parallel_loop3A_115 = arith.index_cast %parallel_loop3A_87 : i32 to index
          %parallel_loop3A_116 = tpu.vector_load %arg5[%parallel_loop3A_114, %parallel_loop3A_115] {strides = array<i32>} : memref<16x1024xf32, #tpu.memory_space<vmem>>, vector<16xf32>,
          %parallel_loop3A_117 = arith.constant 3 : i32
          %parallel_loop3A_118 = vector.broadcast %parallel_loop3A_117 : i32 to vector<16xi32>
          %parallel_loop3A_119 = arith.addi %parallel_loop3A_91, %parallel_loop3A_118 : vector<16xi32>
          tpu.vector_store_idx %arg7[%parallel_loop3A_119], %parallel_loop3A_116 : memref<16384xf32, #tpu.memory_space<vmem>>[vector<16xi32>], vector<16xf32>,
          %parallel_loop3A_120 = arith.constant 4 : i32
          %parallel_loop3A_121 = arith.index_cast %parallel_loop3A_120 : i32 to index
          %parallel_loop3A_122 = arith.index_cast %parallel_loop3A_87 : i32 to index
          %parallel_loop3A_123 = tpu.vector_load %arg5[%parallel_loop3A_121, %parallel_loop3A_122] {strides = array<i32>} : memref<16x1024xf32, #tpu.memory_space<vmem>>, vector<16xf32>,
          %parallel_loop3A_124 = arith.constant 4 : i32
          %parallel_loop3A_125 = vector.broadcast %parallel_loop3A_124 : i32 to vector<16xi32>
          %parallel_loop3A_126 = arith.addi %parallel_loop3A_91, %parallel_loop3A_125 : vector<16xi32>
          tpu.vector_store_idx %arg7[%parallel_loop3A_126], %parallel_loop3A_123 : memref<16384xf32, #tpu.memory_space<vmem>>[vector<16xi32>], vector<16xf32>,
          %parallel_loop3A_127 = arith.constant 5 : i32
          %parallel_loop3A_128 = arith.index_cast %parallel_loop3A_127 : i32 to index
          %parallel_loop3A_129 = arith.index_cast %parallel_loop3A_87 : i32 to index
          %parallel_loop3A_130 = tpu.vector_load %arg5[%parallel_loop3A_128, %parallel_loop3A_129] {strides = array<i32>} : memref<16x1024xf32, #tpu.memory_space<vmem>>, vector<16xf32>,
          %parallel_loop3A_131 = arith.constant 5 : i32
          %parallel_loop3A_132 = vector.broadcast %parallel_loop3A_131 : i32 to vector<16xi32>
          %parallel_loop3A_133 = arith.addi %parallel_loop3A_91, %parallel_loop3A_132 : vector<16xi32>
          tpu.vector_store_idx %arg7[%parallel_loop3A_133], %parallel_loop3A_130 : memref<16384xf32, #tpu.memory_space<vmem>>[vector<16xi32>], vector<16xf32>,
          %parallel_loop3A_134 = arith.constant 6 : i32
          %parallel_loop3A_135 = arith.index_cast %parallel_loop3A_134 : i32 to index
          %parallel_loop3A_136 = arith.index_cast %parallel_loop3A_87 : i32 to index
          %parallel_loop3A_137 = tpu.vector_load %arg5[%parallel_loop3A_135, %parallel_loop3A_136] {strides = array<i32>} : memref<16x1024xf32, #tpu.memory_space<vmem>>, vector<16xf32>,
          %parallel_loop3A_138 = arith.constant 6 : i32
          %parallel_loop3A_139 = vector.broadcast %parallel_loop3A_138 : i32 to vector<16xi32>
          %parallel_loop3A_140 = arith.addi %parallel_loop3A_91, %parallel_loop3A_139 : vector<16xi32>
          tpu.vector_store_idx %arg7[%parallel_loop3A_140], %parallel_loop3A_137 : memref<16384xf32, #tpu.memory_space<vmem>>[vector<16xi32>], vector<16xf32>,
          %parallel_loop3A_141 = arith.constant 7 : i32
          %parallel_loop3A_142 = arith.index_cast %parallel_loop3A_141 : i32 to index
          %parallel_loop3A_143 = arith.index_cast %parallel_loop3A_87 : i32 to index
          %parallel_loop3A_144 = tpu.vector_load %arg5[%parallel_loop3A_142, %parallel_loop3A_143] {strides = array<i32>} : memref<16x1024xf32, #tpu.memory_space<vmem>>, vector<16xf32>,
          %parallel_loop3A_145 = arith.constant 7 : i32
          %parallel_loop3A_146 = vector.broadcast %parallel_loop3A_145 : i32 to vector<16xi32>
          %parallel_loop3A_147 = arith.addi %parallel_loop3A_91, %parallel_loop3A_146 : vector<16xi32>
          tpu.vector_store_idx %arg7[%parallel_loop3A_147], %parallel_loop3A_144 : memref<16384xf32, #tpu.memory_space<vmem>>[vector<16xi32>], vector<16xf32>,
          %parallel_loop3A_148 = arith.constant 8 : i32
          %parallel_loop3A_149 = arith.index_cast %parallel_loop3A_148 : i32 to index
          %parallel_loop3A_150 = arith.index_cast %parallel_loop3A_87 : i32 to index
          %parallel_loop3A_151 = tpu.vector_load %arg5[%parallel_loop3A_149, %parallel_loop3A_150] {strides = array<i32>} : memref<16x1024xf32, #tpu.memory_space<vmem>>, vector<16xf32>,
          %parallel_loop3A_152 = arith.constant 8 : i32
          %parallel_loop3A_153 = vector.broadcast %parallel_loop3A_152 : i32 to vector<16xi32>
          %parallel_loop3A_154 = arith.addi %parallel_loop3A_91, %parallel_loop3A_153 : vector<16xi32>
          tpu.vector_store_idx %arg7[%parallel_loop3A_154], %parallel_loop3A_151 : memref<16384xf32, #tpu.memory_space<vmem>>[vector<16xi32>], vector<16xf32>,
          %parallel_loop3A_155 = arith.constant 9 : i32
          %parallel_loop3A_156 = arith.index_cast %parallel_loop3A_155 : i32 to index
          %parallel_loop3A_157 = arith.index_cast %parallel_loop3A_87 : i32 to index
          %parallel_loop3A_158 = tpu.vector_load %arg5[%parallel_loop3A_156, %parallel_loop3A_157] {strides = array<i32>} : memref<16x1024xf32, #tpu.memory_space<vmem>>, vector<16xf32>,
          %parallel_loop3A_159 = arith.constant 9 : i32
          %parallel_loop3A_160 = vector.broadcast %parallel_loop3A_159 : i32 to vector<16xi32>
          %parallel_loop3A_161 = arith.addi %parallel_loop3A_91, %parallel_loop3A_160 : vector<16xi32>
          tpu.vector_store_idx %arg7[%parallel_loop3A_161], %parallel_loop3A_158 : memref<16384xf32, #tpu.memory_space<vmem>>[vector<16xi32>], vector<16xf32>,
          %parallel_loop3A_162 = arith.constant 10 : i32
          %parallel_loop3A_163 = arith.index_cast %parallel_loop3A_162 : i32 to index
          %parallel_loop3A_164 = arith.index_cast %parallel_loop3A_87 : i32 to index
          %parallel_loop3A_165 = tpu.vector_load %arg5[%parallel_loop3A_163, %parallel_loop3A_164] {strides = array<i32>} : memref<16x1024xf32, #tpu.memory_space<vmem>>, vector<16xf32>,
          %parallel_loop3A_166 = arith.constant 10 : i32
          %parallel_loop3A_167 = vector.broadcast %parallel_loop3A_166 : i32 to vector<16xi32>
          %parallel_loop3A_168 = arith.addi %parallel_loop3A_91, %parallel_loop3A_167 : vector<16xi32>
          tpu.vector_store_idx %arg7[%parallel_loop3A_168], %parallel_loop3A_165 : memref<16384xf32, #tpu.memory_space<vmem>>[vector<16xi32>], vector<16xf32>,
          %parallel_loop3A_169 = arith.constant 11 : i32
          %parallel_loop3A_170 = arith.index_cast %parallel_loop3A_169 : i32 to index
          %parallel_loop3A_171 = arith.index_cast %parallel_loop3A_87 : i32 to index
          %parallel_loop3A_172 = tpu.vector_load %arg5[%parallel_loop3A_170, %parallel_loop3A_171] {strides = array<i32>} : memref<16x1024xf32, #tpu.memory_space<vmem>>, vector<16xf32>,
          %parallel_loop3A_173 = arith.constant 11 : i32
          %parallel_loop3A_174 = vector.broadcast %parallel_loop3A_173 : i32 to vector<16xi32>
          %parallel_loop3A_175 = arith.addi %parallel_loop3A_91, %parallel_loop3A_174 : vector<16xi32>
          tpu.vector_store_idx %arg7[%parallel_loop3A_175], %parallel_loop3A_172 : memref<16384xf32, #tpu.memory_space<vmem>>[vector<16xi32>], vector<16xf32>,
          %parallel_loop3A_176 = arith.constant 12 : i32
          %parallel_loop3A_177 = arith.index_cast %parallel_loop3A_176 : i32 to index
          %parallel_loop3A_178 = arith.index_cast %parallel_loop3A_87 : i32 to index
          %parallel_loop3A_179 = tpu.vector_load %arg5[%parallel_loop3A_177, %parallel_loop3A_178] {strides = array<i32>} : memref<16x1024xf32, #tpu.memory_space<vmem>>, vector<16xf32>,
          %parallel_loop3A_180 = arith.constant 12 : i32
          %parallel_loop3A_181 = vector.broadcast %parallel_loop3A_180 : i32 to vector<16xi32>
          %parallel_loop3A_182 = arith.addi %parallel_loop3A_91, %parallel_loop3A_181 : vector<16xi32>
          tpu.vector_store_idx %arg7[%parallel_loop3A_182], %parallel_loop3A_179 : memref<16384xf32, #tpu.memory_space<vmem>>[vector<16xi32>], vector<16xf32>,
          %parallel_loop3A_183 = arith.constant 13 : i32
          %parallel_loop3A_184 = arith.index_cast %parallel_loop3A_183 : i32 to index
          %parallel_loop3A_185 = arith.index_cast %parallel_loop3A_87 : i32 to index
          %parallel_loop3A_186 = tpu.vector_load %arg5[%parallel_loop3A_184, %parallel_loop3A_185] {strides = array<i32>} : memref<16x1024xf32, #tpu.memory_space<vmem>>, vector<16xf32>,
          %parallel_loop3A_187 = arith.constant 13 : i32
          %parallel_loop3A_188 = vector.broadcast %parallel_loop3A_187 : i32 to vector<16xi32>
          %parallel_loop3A_189 = arith.addi %parallel_loop3A_91, %parallel_loop3A_188 : vector<16xi32>
          tpu.vector_store_idx %arg7[%parallel_loop3A_189], %parallel_loop3A_186 : memref<16384xf32, #tpu.memory_space<vmem>>[vector<16xi32>], vector<16xf32>,
          %parallel_loop3A_190 = arith.constant 14 : i32
          %parallel_loop3A_191 = arith.index_cast %parallel_loop3A_190 : i32 to index
          %parallel_loop3A_192 = arith.index_cast %parallel_loop3A_87 : i32 to index
          %parallel_loop3A_193 = tpu.vector_load %arg5[%parallel_loop3A_191, %parallel_loop3A_192] {strides = array<i32>} : memref<16x1024xf32, #tpu.memory_space<vmem>>, vector<16xf32>,
          %parallel_loop3A_194 = arith.constant 14 : i32
          %parallel_loop3A_195 = vector.broadcast %parallel_loop3A_194 : i32 to vector<16xi32>
          %parallel_loop3A_196 = arith.addi %parallel_loop3A_91, %parallel_loop3A_195 : vector<16xi32>
          tpu.vector_store_idx %arg7[%parallel_loop3A_196], %parallel_loop3A_193 : memref<16384xf32, #tpu.memory_space<vmem>>[vector<16xi32>], vector<16xf32>,
          %parallel_loop3A_197 = arith.constant 15 : i32
          %parallel_loop3A_198 = arith.index_cast %parallel_loop3A_197 : i32 to index
          %parallel_loop3A_199 = arith.index_cast %parallel_loop3A_87 : i32 to index
          %parallel_loop3A_200 = tpu.vector_load %arg5[%parallel_loop3A_198, %parallel_loop3A_199] {strides = array<i32>} : memref<16x1024xf32, #tpu.memory_space<vmem>>, vector<16xf32>,
          %parallel_loop3A_201 = arith.constant 15 : i32
          %parallel_loop3A_202 = vector.broadcast %parallel_loop3A_201 : i32 to vector<16xi32>
          %parallel_loop3A_203 = arith.addi %parallel_loop3A_91, %parallel_loop3A_202 : vector<16xi32>
          tpu.vector_store_idx %arg7[%parallel_loop3A_203], %parallel_loop3A_200 : memref<16384xf32, #tpu.memory_space<vmem>>[vector<16xi32>], vector<16xf32>,
        } {sc.loop_unroll_factor = 2 : i64, sc.parallel_access}
        %add3A_74 = arith.constant 64 : i32
        %add3A_75 = arith.addi %add3A_45, %add3A_74 : i32
        %lt3A_76 = arith.constant 976 : i32
        %lt3A_77 = arith.cmpi slt, %add3A_75, %lt3A_76 : i32
        %convert_element_type3A_78 = arith.extui %lt3A_77 : i1 to i32
        %cond3A_79 = arith.constant 0 : i32
        %cond3A_80 = arith.cmpi ne, %convert_element_type3A_78, %cond3A_79 : i32
        scf.if %cond3A_80 {
          %add3A_85 = arith.constant 2 : i32
          %add3A_86 = arith.addi %add3A_42, %add3A_85 : i32
          %mul3A_87 = arith.constant 32 : i32
          %mul3A_88 = arith.muli %mul3A_87, %add3A_86 : i32
          %add3A_89 = arith.addi %add3A, %mul3A_88 : i32
          %mul3A_90 = arith.constant 1024 : i32
          %mul3A_91 = arith.muli %add3A_89, %mul3A_90 : i32
          %dma_start3A_92 = arith.constant 0 : i32
          %dma_start3A_93 = tpu.memref_slice %arg2[%dma_start3A_92, %mul3A_91] : memref<16x1000000xf32, #tpu.memory_space<hbm>> -> memref<16x1024xf32, #tpu.memory_space<hbm>>
          %dma_start3A_94 = arith.constant 0 : i32
          %dma_start3A_95 = tpu.memref_slice %arg2[%dma_start3A_94, %mul3A_91] : memref<16x1000000xf32, #tpu.memory_space<hbm>> -> memref<16x1024xf32, #tpu.memory_space<hbm>>
          tpu.enqueue_dma source(%dma_start3A_95 : memref<16x1024xf32, #tpu.memory_space<hbm>>) target(%arg5 : memref<16x1024xf32, #tpu.memory_space<vmem>>) target_semaphore(%arg10 : memref<!tpu.dma_semaphore, #tpu.memory_space<semaphore_mem>>)
        } else {
        }
        %mul3A_81 = arith.constant 16384 : i32
        %mul3A_82 = arith.muli %add3A_45, %mul3A_81 : i32
        %dma_start3A_83 = tpu.memref_slice %arg4[%mul3A_82] : memref<16000000xf32, #tpu.memory_space<hbm>> -> memref<16384xf32, #tpu.memory_space<hbm>>
        %dma_start3A_84 = tpu.memref_slice %arg4[%mul3A_82] : memref<16000000xf32, #tpu.memory_space<hbm>> -> memref<16384xf32, #tpu.memory_space<hbm>>
        tpu.enqueue_dma source(%arg7 : memref<16384xf32, #tpu.memory_space<vmem>>) target(%dma_start3A_84 : memref<16384xf32, #tpu.memory_space<hbm>>) target_semaphore(%arg12 : memref<!tpu.dma_semaphore, #tpu.memory_space<semaphore_mem>>)
      } else {
      }
      %mul3A_50 = arith.constant 2 : i32
      %mul3A_51 = arith.muli %scan3A_38, %mul3A_50 : i32
      %add3A_52 = arith.constant 1 : i32
      %add3A_53 = arith.addi %mul3A_51, %add3A_52 : i32
      %mul3A_54 = arith.constant 32 : i32
      %mul3A_55 = arith.muli %mul3A_54, %add3A_53 : i32
      %add3A_56 = arith.addi %add3A, %mul3A_55 : i32
      %lt3A_57 = arith.constant 976 : i32
      %lt3A_58 = arith.cmpi slt, %add3A_56, %lt3A_57 : i32
      %convert_element_type3A_59 = arith.extui %lt3A_58 : i1 to i32
      %cond3A_60 = arith.constant 0 : i32
      %cond3A_61 = arith.cmpi ne, %convert_element_type3A_59, %cond3A_60 : i32
      scf.if %cond3A_61 {
        %dma_wait3A_62 = arith.constant 0 : i32
        %dma_wait3A_63 = arith.constant 0 : i32
        %dma_wait3A_64 = tpu.memref_slice %arg2[%dma_wait3A_62, %dma_wait3A_63] : memref<16x1000000xf32, #tpu.memory_space<hbm>> -> memref<16x1024xf32, #tpu.memory_space<hbm>>
        %dma_wait3A_65 = arith.constant 0 : i32
        %dma_wait3A_66 = arith.constant 0 : i32
        %dma_wait3A_67 = tpu.memref_slice %arg2[%dma_wait3A_65, %dma_wait3A_66] : memref<16x1000000xf32, #tpu.memory_space<hbm>> -> memref<16x1024xf32, #tpu.memory_space<hbm>>
        tpu.wait_dma2 semaphore(%arg11 : memref<!tpu.dma_semaphore, #tpu.memory_space<semaphore_mem>>) src(%dma_wait3A_67 : memref<16x1024xf32, #tpu.memory_space<hbm>>) dst(%arg6 : memref<16x1024xf32, #tpu.memory_space<vmem>>)
        %ge3A = arith.constant 2 : i32
        %ge3A_68 = arith.cmpi sge, %add3A_53, %ge3A : i32
        %convert_element_type3A_69 = arith.extui %ge3A_68 : i1 to i32
        %cond3A_70 = arith.constant 0 : i32
        %cond3A_71 = arith.cmpi ne, %convert_element_type3A_69, %cond3A_70 : i32
        scf.if %cond3A_71 {
          %dma_wait3A_85 = arith.constant 0 : i32
          %dma_wait3A_86 = tpu.memref_slice %arg4[%dma_wait3A_85] : memref<16000000xf32, #tpu.memory_space<hbm>> -> memref<16384xf32, #tpu.memory_space<hbm>>
          %dma_wait3A_87 = arith.constant 0 : i32
          %dma_wait3A_88 = tpu.memref_slice %arg4[%dma_wait3A_87] : memref<16000000xf32, #tpu.memory_space<hbm>> -> memref<16384xf32, #tpu.memory_space<hbm>>
          tpu.wait_dma2 semaphore(%arg13 : memref<!tpu.dma_semaphore, #tpu.memory_space<semaphore_mem>>) src(%arg8 : memref<16384xf32, #tpu.memory_space<vmem>>) dst(%dma_wait3A_88 : memref<16384xf32, #tpu.memory_space<hbm>>)
        } else {
        }
        %parallel_loop3A = arith.constant 0 : i32
        %parallel_loop3A_72 = arith.constant 64 : i32
        %parallel_loop3A_73 = arith.constant 1 : i32
        scf.for %parallel_loop3A_85 = %parallel_loop3A to %parallel_loop3A_72 step %parallel_loop3A_73  : i32 {
          %parallel_loop3A_86 = arith.constant 16 : i32
          %parallel_loop3A_87 = arith.muli %parallel_loop3A_85, %parallel_loop3A_86 : i32
          %parallel_loop3A_88 = arith.constant 16 : i32
          %parallel_loop3A_89 = arith.muli %parallel_loop3A_87, %parallel_loop3A_88 : i32
          %parallel_loop3A_90 = vector.broadcast %parallel_loop3A_89 : i32 to vector<16xi32>
          %parallel_loop3A_91 = arith.addi %mul3A_3, %parallel_loop3A_90 : vector<16xi32>
          %parallel_loop3A_92 = arith.constant 0 : i32
          %parallel_loop3A_93 = arith.index_cast %parallel_loop3A_92 : i32 to index
          %parallel_loop3A_94 = arith.index_cast %parallel_loop3A_87 : i32 to index
          %parallel_loop3A_95 = tpu.vector_load %arg6[%parallel_loop3A_93, %parallel_loop3A_94] {strides = array<i32>} : memref<16x1024xf32, #tpu.memory_space<vmem>>, vector<16xf32>,
          %parallel_loop3A_96 = arith.constant 0 : i32
          %parallel_loop3A_97 = vector.broadcast %parallel_loop3A_96 : i32 to vector<16xi32>
          %parallel_loop3A_98 = arith.addi %parallel_loop3A_91, %parallel_loop3A_97 : vector<16xi32>
          tpu.vector_store_idx %arg8[%parallel_loop3A_98], %parallel_loop3A_95 : memref<16384xf32, #tpu.memory_space<vmem>>[vector<16xi32>], vector<16xf32>,
          %parallel_loop3A_99 = arith.constant 1 : i32
          %parallel_loop3A_100 = arith.index_cast %parallel_loop3A_99 : i32 to index
          %parallel_loop3A_101 = arith.index_cast %parallel_loop3A_87 : i32 to index
          %parallel_loop3A_102 = tpu.vector_load %arg6[%parallel_loop3A_100, %parallel_loop3A_101] {strides = array<i32>} : memref<16x1024xf32, #tpu.memory_space<vmem>>, vector<16xf32>,
          %parallel_loop3A_103 = arith.constant 1 : i32
          %parallel_loop3A_104 = vector.broadcast %parallel_loop3A_103 : i32 to vector<16xi32>
          %parallel_loop3A_105 = arith.addi %parallel_loop3A_91, %parallel_loop3A_104 : vector<16xi32>
          tpu.vector_store_idx %arg8[%parallel_loop3A_105], %parallel_loop3A_102 : memref<16384xf32, #tpu.memory_space<vmem>>[vector<16xi32>], vector<16xf32>,
          %parallel_loop3A_106 = arith.constant 2 : i32
          %parallel_loop3A_107 = arith.index_cast %parallel_loop3A_106 : i32 to index
          %parallel_loop3A_108 = arith.index_cast %parallel_loop3A_87 : i32 to index
          %parallel_loop3A_109 = tpu.vector_load %arg6[%parallel_loop3A_107, %parallel_loop3A_108] {strides = array<i32>} : memref<16x1024xf32, #tpu.memory_space<vmem>>, vector<16xf32>,
          %parallel_loop3A_110 = arith.constant 2 : i32
          %parallel_loop3A_111 = vector.broadcast %parallel_loop3A_110 : i32 to vector<16xi32>
          %parallel_loop3A_112 = arith.addi %parallel_loop3A_91, %parallel_loop3A_111 : vector<16xi32>
          tpu.vector_store_idx %arg8[%parallel_loop3A_112], %parallel_loop3A_109 : memref<16384xf32, #tpu.memory_space<vmem>>[vector<16xi32>], vector<16xf32>,
          %parallel_loop3A_113 = arith.constant 3 : i32
          %parallel_loop3A_114 = arith.index_cast %parallel_loop3A_113 : i32 to index
          %parallel_loop3A_115 = arith.index_cast %parallel_loop3A_87 : i32 to index
          %parallel_loop3A_116 = tpu.vector_load %arg6[%parallel_loop3A_114, %parallel_loop3A_115] {strides = array<i32>} : memref<16x1024xf32, #tpu.memory_space<vmem>>, vector<16xf32>,
          %parallel_loop3A_117 = arith.constant 3 : i32
          %parallel_loop3A_118 = vector.broadcast %parallel_loop3A_117 : i32 to vector<16xi32>
          %parallel_loop3A_119 = arith.addi %parallel_loop3A_91, %parallel_loop3A_118 : vector<16xi32>
          tpu.vector_store_idx %arg8[%parallel_loop3A_119], %parallel_loop3A_116 : memref<16384xf32, #tpu.memory_space<vmem>>[vector<16xi32>], vector<16xf32>,
          %parallel_loop3A_120 = arith.constant 4 : i32
          %parallel_loop3A_121 = arith.index_cast %parallel_loop3A_120 : i32 to index
          %parallel_loop3A_122 = arith.index_cast %parallel_loop3A_87 : i32 to index
          %parallel_loop3A_123 = tpu.vector_load %arg6[%parallel_loop3A_121, %parallel_loop3A_122] {strides = array<i32>} : memref<16x1024xf32, #tpu.memory_space<vmem>>, vector<16xf32>,
          %parallel_loop3A_124 = arith.constant 4 : i32
          %parallel_loop3A_125 = vector.broadcast %parallel_loop3A_124 : i32 to vector<16xi32>
          %parallel_loop3A_126 = arith.addi %parallel_loop3A_91, %parallel_loop3A_125 : vector<16xi32>
          tpu.vector_store_idx %arg8[%parallel_loop3A_126], %parallel_loop3A_123 : memref<16384xf32, #tpu.memory_space<vmem>>[vector<16xi32>], vector<16xf32>,
          %parallel_loop3A_127 = arith.constant 5 : i32
          %parallel_loop3A_128 = arith.index_cast %parallel_loop3A_127 : i32 to index
          %parallel_loop3A_129 = arith.index_cast %parallel_loop3A_87 : i32 to index
          %parallel_loop3A_130 = tpu.vector_load %arg6[%parallel_loop3A_128, %parallel_loop3A_129] {strides = array<i32>} : memref<16x1024xf32, #tpu.memory_space<vmem>>, vector<16xf32>,
          %parallel_loop3A_131 = arith.constant 5 : i32
          %parallel_loop3A_132 = vector.broadcast %parallel_loop3A_131 : i32 to vector<16xi32>
          %parallel_loop3A_133 = arith.addi %parallel_loop3A_91, %parallel_loop3A_132 : vector<16xi32>
          tpu.vector_store_idx %arg8[%parallel_loop3A_133], %parallel_loop3A_130 : memref<16384xf32, #tpu.memory_space<vmem>>[vector<16xi32>], vector<16xf32>,
          %parallel_loop3A_134 = arith.constant 6 : i32
          %parallel_loop3A_135 = arith.index_cast %parallel_loop3A_134 : i32 to index
          %parallel_loop3A_136 = arith.index_cast %parallel_loop3A_87 : i32 to index
          %parallel_loop3A_137 = tpu.vector_load %arg6[%parallel_loop3A_135, %parallel_loop3A_136] {strides = array<i32>} : memref<16x1024xf32, #tpu.memory_space<vmem>>, vector<16xf32>,
          %parallel_loop3A_138 = arith.constant 6 : i32
          %parallel_loop3A_139 = vector.broadcast %parallel_loop3A_138 : i32 to vector<16xi32>
          %parallel_loop3A_140 = arith.addi %parallel_loop3A_91, %parallel_loop3A_139 : vector<16xi32>
          tpu.vector_store_idx %arg8[%parallel_loop3A_140], %parallel_loop3A_137 : memref<16384xf32, #tpu.memory_space<vmem>>[vector<16xi32>], vector<16xf32>,
          %parallel_loop3A_141 = arith.constant 7 : i32
          %parallel_loop3A_142 = arith.index_cast %parallel_loop3A_141 : i32 to index
          %parallel_loop3A_143 = arith.index_cast %parallel_loop3A_87 : i32 to index
          %parallel_loop3A_144 = tpu.vector_load %arg6[%parallel_loop3A_142, %parallel_loop3A_143] {strides = array<i32>} : memref<16x1024xf32, #tpu.memory_space<vmem>>, vector<16xf32>,
          %parallel_loop3A_145 = arith.constant 7 : i32
          %parallel_loop3A_146 = vector.broadcast %parallel_loop3A_145 : i32 to vector<16xi32>
          %parallel_loop3A_147 = arith.addi %parallel_loop3A_91, %parallel_loop3A_146 : vector<16xi32>
          tpu.vector_store_idx %arg8[%parallel_loop3A_147], %parallel_loop3A_144 : memref<16384xf32, #tpu.memory_space<vmem>>[vector<16xi32>], vector<16xf32>,
          %parallel_loop3A_148 = arith.constant 8 : i32
          %parallel_loop3A_149 = arith.index_cast %parallel_loop3A_148 : i32 to index
          %parallel_loop3A_150 = arith.index_cast %parallel_loop3A_87 : i32 to index
          %parallel_loop3A_151 = tpu.vector_load %arg6[%parallel_loop3A_149, %parallel_loop3A_150] {strides = array<i32>} : memref<16x1024xf32, #tpu.memory_space<vmem>>, vector<16xf32>,
          %parallel_loop3A_152 = arith.constant 8 : i32
          %parallel_loop3A_153 = vector.broadcast %parallel_loop3A_152 : i32 to vector<16xi32>
          %parallel_loop3A_154 = arith.addi %parallel_loop3A_91, %parallel_loop3A_153 : vector<16xi32>
          tpu.vector_store_idx %arg8[%parallel_loop3A_154], %parallel_loop3A_151 : memref<16384xf32, #tpu.memory_space<vmem>>[vector<16xi32>], vector<16xf32>,
          %parallel_loop3A_155 = arith.constant 9 : i32
          %parallel_loop3A_156 = arith.index_cast %parallel_loop3A_155 : i32 to index
          %parallel_loop3A_157 = arith.index_cast %parallel_loop3A_87 : i32 to index
          %parallel_loop3A_158 = tpu.vector_load %arg6[%parallel_loop3A_156, %parallel_loop3A_157] {strides = array<i32>} : memref<16x1024xf32, #tpu.memory_space<vmem>>, vector<16xf32>,
          %parallel_loop3A_159 = arith.constant 9 : i32
          %parallel_loop3A_160 = vector.broadcast %parallel_loop3A_159 : i32 to vector<16xi32>
          %parallel_loop3A_161 = arith.addi %parallel_loop3A_91, %parallel_loop3A_160 : vector<16xi32>
          tpu.vector_store_idx %arg8[%parallel_loop3A_161], %parallel_loop3A_158 : memref<16384xf32, #tpu.memory_space<vmem>>[vector<16xi32>], vector<16xf32>,
          %parallel_loop3A_162 = arith.constant 10 : i32
          %parallel_loop3A_163 = arith.index_cast %parallel_loop3A_162 : i32 to index
          %parallel_loop3A_164 = arith.index_cast %parallel_loop3A_87 : i32 to index
          %parallel_loop3A_165 = tpu.vector_load %arg6[%parallel_loop3A_163, %parallel_loop3A_164] {strides = array<i32>} : memref<16x1024xf32, #tpu.memory_space<vmem>>, vector<16xf32>,
          %parallel_loop3A_166 = arith.constant 10 : i32
          %parallel_loop3A_167 = vector.broadcast %parallel_loop3A_166 : i32 to vector<16xi32>
          %parallel_loop3A_168 = arith.addi %parallel_loop3A_91, %parallel_loop3A_167 : vector<16xi32>
          tpu.vector_store_idx %arg8[%parallel_loop3A_168], %parallel_loop3A_165 : memref<16384xf32, #tpu.memory_space<vmem>>[vector<16xi32>], vector<16xf32>,
          %parallel_loop3A_169 = arith.constant 11 : i32
          %parallel_loop3A_170 = arith.index_cast %parallel_loop3A_169 : i32 to index
          %parallel_loop3A_171 = arith.index_cast %parallel_loop3A_87 : i32 to index
          %parallel_loop3A_172 = tpu.vector_load %arg6[%parallel_loop3A_170, %parallel_loop3A_171] {strides = array<i32>} : memref<16x1024xf32, #tpu.memory_space<vmem>>, vector<16xf32>,
          %parallel_loop3A_173 = arith.constant 11 : i32
          %parallel_loop3A_174 = vector.broadcast %parallel_loop3A_173 : i32 to vector<16xi32>
          %parallel_loop3A_175 = arith.addi %parallel_loop3A_91, %parallel_loop3A_174 : vector<16xi32>
          tpu.vector_store_idx %arg8[%parallel_loop3A_175], %parallel_loop3A_172 : memref<16384xf32, #tpu.memory_space<vmem>>[vector<16xi32>], vector<16xf32>,
          %parallel_loop3A_176 = arith.constant 12 : i32
          %parallel_loop3A_177 = arith.index_cast %parallel_loop3A_176 : i32 to index
          %parallel_loop3A_178 = arith.index_cast %parallel_loop3A_87 : i32 to index
          %parallel_loop3A_179 = tpu.vector_load %arg6[%parallel_loop3A_177, %parallel_loop3A_178] {strides = array<i32>} : memref<16x1024xf32, #tpu.memory_space<vmem>>, vector<16xf32>,
          %parallel_loop3A_180 = arith.constant 12 : i32
          %parallel_loop3A_181 = vector.broadcast %parallel_loop3A_180 : i32 to vector<16xi32>
          %parallel_loop3A_182 = arith.addi %parallel_loop3A_91, %parallel_loop3A_181 : vector<16xi32>
          tpu.vector_store_idx %arg8[%parallel_loop3A_182], %parallel_loop3A_179 : memref<16384xf32, #tpu.memory_space<vmem>>[vector<16xi32>], vector<16xf32>,
          %parallel_loop3A_183 = arith.constant 13 : i32
          %parallel_loop3A_184 = arith.index_cast %parallel_loop3A_183 : i32 to index
          %parallel_loop3A_185 = arith.index_cast %parallel_loop3A_87 : i32 to index
          %parallel_loop3A_186 = tpu.vector_load %arg6[%parallel_loop3A_184, %parallel_loop3A_185] {strides = array<i32>} : memref<16x1024xf32, #tpu.memory_space<vmem>>, vector<16xf32>,
          %parallel_loop3A_187 = arith.constant 13 : i32
          %parallel_loop3A_188 = vector.broadcast %parallel_loop3A_187 : i32 to vector<16xi32>
          %parallel_loop3A_189 = arith.addi %parallel_loop3A_91, %parallel_loop3A_188 : vector<16xi32>
          tpu.vector_store_idx %arg8[%parallel_loop3A_189], %parallel_loop3A_186 : memref<16384xf32, #tpu.memory_space<vmem>>[vector<16xi32>], vector<16xf32>,
          %parallel_loop3A_190 = arith.constant 14 : i32
          %parallel_loop3A_191 = arith.index_cast %parallel_loop3A_190 : i32 to index
          %parallel_loop3A_192 = arith.index_cast %parallel_loop3A_87 : i32 to index
          %parallel_loop3A_193 = tpu.vector_load %arg6[%parallel_loop3A_191, %parallel_loop3A_192] {strides = array<i32>} : memref<16x1024xf32, #tpu.memory_space<vmem>>, vector<16xf32>,
          %parallel_loop3A_194 = arith.constant 14 : i32
          %parallel_loop3A_195 = vector.broadcast %parallel_loop3A_194 : i32 to vector<16xi32>
          %parallel_loop3A_196 = arith.addi %parallel_loop3A_91, %parallel_loop3A_195 : vector<16xi32>
          tpu.vector_store_idx %arg8[%parallel_loop3A_196], %parallel_loop3A_193 : memref<16384xf32, #tpu.memory_space<vmem>>[vector<16xi32>], vector<16xf32>,
          %parallel_loop3A_197 = arith.constant 15 : i32
          %parallel_loop3A_198 = arith.index_cast %parallel_loop3A_197 : i32 to index
          %parallel_loop3A_199 = arith.index_cast %parallel_loop3A_87 : i32 to index
          %parallel_loop3A_200 = tpu.vector_load %arg6[%parallel_loop3A_198, %parallel_loop3A_199] {strides = array<i32>} : memref<16x1024xf32, #tpu.memory_space<vmem>>, vector<16xf32>,
          %parallel_loop3A_201 = arith.constant 15 : i32
          %parallel_loop3A_202 = vector.broadcast %parallel_loop3A_201 : i32 to vector<16xi32>
          %parallel_loop3A_203 = arith.addi %parallel_loop3A_91, %parallel_loop3A_202 : vector<16xi32>
          tpu.vector_store_idx %arg8[%parallel_loop3A_203], %parallel_loop3A_200 : memref<16384xf32, #tpu.memory_space<vmem>>[vector<16xi32>], vector<16xf32>,
        } {sc.loop_unroll_factor = 2 : i64, sc.parallel_access}
        %add3A_74 = arith.constant 64 : i32
        %add3A_75 = arith.addi %add3A_56, %add3A_74 : i32
        %lt3A_76 = arith.constant 976 : i32
        %lt3A_77 = arith.cmpi slt, %add3A_75, %lt3A_76 : i32
        %convert_element_type3A_78 = arith.extui %lt3A_77 : i1 to i32
        %cond3A_79 = arith.constant 0 : i32
        %cond3A_80 = arith.cmpi ne, %convert_element_type3A_78, %cond3A_79 : i32
        scf.if %cond3A_80 {
          %add3A_85 = arith.constant 2 : i32
          %add3A_86 = arith.addi %add3A_53, %add3A_85 : i32
          %mul3A_87 = arith.constant 32 : i32
          %mul3A_88 = arith.muli %mul3A_87, %add3A_86 : i32
          %add3A_89 = arith.addi %add3A, %mul3A_88 : i32
          %mul3A_90 = arith.constant 1024 : i32
          %mul3A_91 = arith.muli %add3A_89, %mul3A_90 : i32
          %dma_start3A_92 = arith.constant 0 : i32
          %dma_start3A_93 = tpu.memref_slice %arg2[%dma_start3A_92, %mul3A_91] : memref<16x1000000xf32, #tpu.memory_space<hbm>> -> memref<16x1024xf32, #tpu.memory_space<hbm>>
          %dma_start3A_94 = arith.constant 0 : i32
          %dma_start3A_95 = tpu.memref_slice %arg2[%dma_start3A_94, %mul3A_91] : memref<16x1000000xf32, #tpu.memory_space<hbm>> -> memref<16x1024xf32, #tpu.memory_space<hbm>>
          tpu.enqueue_dma source(%dma_start3A_95 : memref<16x1024xf32, #tpu.memory_space<hbm>>) target(%arg6 : memref<16x1024xf32, #tpu.memory_space<vmem>>) target_semaphore(%arg11 : memref<!tpu.dma_semaphore, #tpu.memory_space<semaphore_mem>>)
        } else {
        }
        %mul3A_81 = arith.constant 16384 : i32
        %mul3A_82 = arith.muli %add3A_56, %mul3A_81 : i32
        %dma_start3A_83 = tpu.memref_slice %arg4[%mul3A_82] : memref<16000000xf32, #tpu.memory_space<hbm>> -> memref<16384xf32, #tpu.memory_space<hbm>>
        %dma_start3A_84 = tpu.memref_slice %arg4[%mul3A_82] : memref<16000000xf32, #tpu.memory_space<hbm>> -> memref<16384xf32, #tpu.memory_space<hbm>>
        tpu.enqueue_dma source(%arg8 : memref<16384xf32, #tpu.memory_space<vmem>>) target(%dma_start3A_84 : memref<16384xf32, #tpu.memory_space<hbm>>) target_semaphore(%arg13 : memref<!tpu.dma_semaphore, #tpu.memory_space<semaphore_mem>>)
      } else {
      }
    }
    %scan3A_23 = arith.constant 16 : i32
    %dma_wait3A = arith.constant 0 : i32
    %dma_wait3A_24 = tpu.memref_slice %arg4[%dma_wait3A] : memref<16000000xf32, #tpu.memory_space<hbm>> -> memref<16384xf32, #tpu.memory_space<hbm>>
    %dma_wait3A_25 = arith.constant 0 : i32
    %dma_wait3A_26 = tpu.memref_slice %arg4[%dma_wait3A_25] : memref<16000000xf32, #tpu.memory_space<hbm>> -> memref<16384xf32, #tpu.memory_space<hbm>>
    tpu.wait_dma2 semaphore(%arg12 : memref<!tpu.dma_semaphore, #tpu.memory_space<semaphore_mem>>) src(%arg7 : memref<16384xf32, #tpu.memory_space<vmem>>) dst(%dma_wait3A_26 : memref<16384xf32, #tpu.memory_space<hbm>>)
    %dma_wait3A_27 = arith.constant 0 : i32
    %dma_wait3A_28 = tpu.memref_slice %arg4[%dma_wait3A_27] : memref<16000000xf32, #tpu.memory_space<hbm>> -> memref<16384xf32, #tpu.memory_space<hbm>>
    %dma_wait3A_29 = arith.constant 0 : i32
    %dma_wait3A_30 = tpu.memref_slice %arg4[%dma_wait3A_29] : memref<16000000xf32, #tpu.memory_space<hbm>> -> memref<16384xf32, #tpu.memory_space<hbm>>
    tpu.wait_dma2 semaphore(%arg13 : memref<!tpu.dma_semaphore, #tpu.memory_space<semaphore_mem>>) src(%arg8 : memref<16384xf32, #tpu.memory_space<vmem>>) dst(%dma_wait3A_30 : memref<16384xf32, #tpu.memory_space<hbm>>)
    %eq3A = arith.constant 16 : i32
    %eq3A_31 = arith.cmpi eq, %add3A, %eq3A : i32
    %convert_element_type3A = arith.extui %eq3A_31 : i1 to i32
    %cond3A = arith.constant 0 : i32
    %cond3A_32 = arith.cmpi ne, %convert_element_type3A, %cond3A : i32
    scf.if %cond3A_32 {
      %dma_start3A_38 = arith.constant 0 : i32
      %dma_start3A_39 = arith.constant 0 : i32
      %dma_start3A_40 = tpu.memref_slice %arg5[%dma_start3A_38, %dma_start3A_39] : memref<16x1024xf32, #tpu.memory_space<vmem>> -> memref<16x512xf32, #tpu.memory_space<vmem>>
      %dma_start3A_41 = arith.constant 0 : i32
      %dma_start3A_42 = arith.constant 999424 : i32
      %dma_start3A_43 = tpu.memref_slice %arg2[%dma_start3A_41, %dma_start3A_42] : memref<16x1000000xf32, #tpu.memory_space<hbm>> -> memref<16x512xf32, #tpu.memory_space<hbm>>
      %dma_start3A_44 = arith.constant 0 : i32
      %dma_start3A_45 = arith.constant 0 : i32
      %dma_start3A_46 = tpu.memref_slice %arg5[%dma_start3A_44, %dma_start3A_45] : memref<16x1024xf32, #tpu.memory_space<vmem>> -> memref<16x512xf32, #tpu.memory_space<vmem>>
      %dma_start3A_47 = arith.constant 0 : i32
      %dma_start3A_48 = arith.constant 999424 : i32
      %dma_start3A_49 = tpu.memref_slice %arg2[%dma_start3A_47, %dma_start3A_48] : memref<16x1000000xf32, #tpu.memory_space<hbm>> -> memref<16x512xf32, #tpu.memory_space<hbm>>
      tpu.enqueue_dma source(%dma_start3A_49 : memref<16x512xf32, #tpu.memory_space<hbm>>) target(%dma_start3A_46 : memref<16x512xf32, #tpu.memory_space<vmem>>) target_semaphore(%arg10 : memref<!tpu.dma_semaphore, #tpu.memory_space<semaphore_mem>>)
      %dma_wait3A_50 = arith.constant 0 : i32
      %dma_wait3A_51 = arith.constant 0 : i32
      %dma_wait3A_52 = tpu.memref_slice %arg5[%dma_wait3A_50, %dma_wait3A_51] : memref<16x1024xf32, #tpu.memory_space<vmem>> -> memref<16x512xf32, #tpu.memory_space<vmem>>
      %dma_wait3A_53 = arith.constant 0 : i32
      %dma_wait3A_54 = arith.constant 0 : i32
      %dma_wait3A_55 = tpu.memref_slice %arg2[%dma_wait3A_53, %dma_wait3A_54] : memref<16x1000000xf32, #tpu.memory_space<hbm>> -> memref<16x512xf32, #tpu.memory_space<hbm>>
      %dma_wait3A_56 = arith.constant 0 : i32
      %dma_wait3A_57 = arith.constant 0 : i32
      %dma_wait3A_58 = tpu.memref_slice %arg5[%dma_wait3A_56, %dma_wait3A_57] : memref<16x1024xf32, #tpu.memory_space<vmem>> -> memref<16x512xf32, #tpu.memory_space<vmem>>
      %dma_wait3A_59 = arith.constant 0 : i32
      %dma_wait3A_60 = arith.constant 0 : i32
      %dma_wait3A_61 = tpu.memref_slice %arg2[%dma_wait3A_59, %dma_wait3A_60] : memref<16x1000000xf32, #tpu.memory_space<hbm>> -> memref<16x512xf32, #tpu.memory_space<hbm>>
      tpu.wait_dma2 semaphore(%arg10 : memref<!tpu.dma_semaphore, #tpu.memory_space<semaphore_mem>>) src(%dma_wait3A_61 : memref<16x512xf32, #tpu.memory_space<hbm>>) dst(%dma_wait3A_58 : memref<16x512xf32, #tpu.memory_space<vmem>>)
      %parallel_loop3A = arith.constant 0 : i32
      %parallel_loop3A_62 = arith.constant 32 : i32
      %parallel_loop3A_63 = arith.constant 1 : i32
      scf.for %parallel_loop3A_64 = %parallel_loop3A to %parallel_loop3A_62 step %parallel_loop3A_63  : i32 {
        %parallel_loop3A_65 = arith.constant 16 : i32
        %parallel_loop3A_66 = arith.muli %parallel_loop3A_64, %parallel_loop3A_65 : i32
        %parallel_loop3A_67 = arith.constant 16 : i32
        %parallel_loop3A_68 = arith.muli %parallel_loop3A_66, %parallel_loop3A_67 : i32
        %parallel_loop3A_69 = vector.broadcast %parallel_loop3A_68 : i32 to vector<16xi32>
        %parallel_loop3A_70 = arith.addi %mul3A_3, %parallel_loop3A_69 : vector<16xi32>
        %parallel_loop3A_71 = arith.constant 0 : i32
        %parallel_loop3A_72 = arith.index_cast %parallel_loop3A_71 : i32 to index
        %parallel_loop3A_73 = arith.index_cast %parallel_loop3A_66 : i32 to index
        %parallel_loop3A_74 = tpu.vector_load %arg5[%parallel_loop3A_72, %parallel_loop3A_73] {strides = array<i32>} : memref<16x1024xf32, #tpu.memory_space<vmem>>, vector<16xf32>,
        %parallel_loop3A_75 = arith.constant 0 : i32
        %parallel_loop3A_76 = vector.broadcast %parallel_loop3A_75 : i32 to vector<16xi32>
        %parallel_loop3A_77 = arith.addi %parallel_loop3A_70, %parallel_loop3A_76 : vector<16xi32>
        tpu.vector_store_idx %arg7[%parallel_loop3A_77], %parallel_loop3A_74 : memref<16384xf32, #tpu.memory_space<vmem>>[vector<16xi32>], vector<16xf32>,
        %parallel_loop3A_78 = arith.constant 1 : i32
        %parallel_loop3A_79 = arith.index_cast %parallel_loop3A_78 : i32 to index
        %parallel_loop3A_80 = arith.index_cast %parallel_loop3A_66 : i32 to index
        %parallel_loop3A_81 = tpu.vector_load %arg5[%parallel_loop3A_79, %parallel_loop3A_80] {strides = array<i32>} : memref<16x1024xf32, #tpu.memory_space<vmem>>, vector<16xf32>,
        %parallel_loop3A_82 = arith.constant 1 : i32
        %parallel_loop3A_83 = vector.broadcast %parallel_loop3A_82 : i32 to vector<16xi32>
        %parallel_loop3A_84 = arith.addi %parallel_loop3A_70, %parallel_loop3A_83 : vector<16xi32>
        tpu.vector_store_idx %arg7[%parallel_loop3A_84], %parallel_loop3A_81 : memref<16384xf32, #tpu.memory_space<vmem>>[vector<16xi32>], vector<16xf32>,
        %parallel_loop3A_85 = arith.constant 2 : i32
        %parallel_loop3A_86 = arith.index_cast %parallel_loop3A_85 : i32 to index
        %parallel_loop3A_87 = arith.index_cast %parallel_loop3A_66 : i32 to index
        %parallel_loop3A_88 = tpu.vector_load %arg5[%parallel_loop3A_86, %parallel_loop3A_87] {strides = array<i32>} : memref<16x1024xf32, #tpu.memory_space<vmem>>, vector<16xf32>,
        %parallel_loop3A_89 = arith.constant 2 : i32
        %parallel_loop3A_90 = vector.broadcast %parallel_loop3A_89 : i32 to vector<16xi32>
        %parallel_loop3A_91 = arith.addi %parallel_loop3A_70, %parallel_loop3A_90 : vector<16xi32>
        tpu.vector_store_idx %arg7[%parallel_loop3A_91], %parallel_loop3A_88 : memref<16384xf32, #tpu.memory_space<vmem>>[vector<16xi32>], vector<16xf32>,
        %parallel_loop3A_92 = arith.constant 3 : i32
        %parallel_loop3A_93 = arith.index_cast %parallel_loop3A_92 : i32 to index
        %parallel_loop3A_94 = arith.index_cast %parallel_loop3A_66 : i32 to index
        %parallel_loop3A_95 = tpu.vector_load %arg5[%parallel_loop3A_93, %parallel_loop3A_94] {strides = array<i32>} : memref<16x1024xf32, #tpu.memory_space<vmem>>, vector<16xf32>,
        %parallel_loop3A_96 = arith.constant 3 : i32
        %parallel_loop3A_97 = vector.broadcast %parallel_loop3A_96 : i32 to vector<16xi32>
        %parallel_loop3A_98 = arith.addi %parallel_loop3A_70, %parallel_loop3A_97 : vector<16xi32>
        tpu.vector_store_idx %arg7[%parallel_loop3A_98], %parallel_loop3A_95 : memref<16384xf32, #tpu.memory_space<vmem>>[vector<16xi32>], vector<16xf32>,
        %parallel_loop3A_99 = arith.constant 4 : i32
        %parallel_loop3A_100 = arith.index_cast %parallel_loop3A_99 : i32 to index
        %parallel_loop3A_101 = arith.index_cast %parallel_loop3A_66 : i32 to index
        %parallel_loop3A_102 = tpu.vector_load %arg5[%parallel_loop3A_100, %parallel_loop3A_101] {strides = array<i32>} : memref<16x1024xf32, #tpu.memory_space<vmem>>, vector<16xf32>,
        %parallel_loop3A_103 = arith.constant 4 : i32
        %parallel_loop3A_104 = vector.broadcast %parallel_loop3A_103 : i32 to vector<16xi32>
        %parallel_loop3A_105 = arith.addi %parallel_loop3A_70, %parallel_loop3A_104 : vector<16xi32>
        tpu.vector_store_idx %arg7[%parallel_loop3A_105], %parallel_loop3A_102 : memref<16384xf32, #tpu.memory_space<vmem>>[vector<16xi32>], vector<16xf32>,
        %parallel_loop3A_106 = arith.constant 5 : i32
        %parallel_loop3A_107 = arith.index_cast %parallel_loop3A_106 : i32 to index
        %parallel_loop3A_108 = arith.index_cast %parallel_loop3A_66 : i32 to index
        %parallel_loop3A_109 = tpu.vector_load %arg5[%parallel_loop3A_107, %parallel_loop3A_108] {strides = array<i32>} : memref<16x1024xf32, #tpu.memory_space<vmem>>, vector<16xf32>,
        %parallel_loop3A_110 = arith.constant 5 : i32
        %parallel_loop3A_111 = vector.broadcast %parallel_loop3A_110 : i32 to vector<16xi32>
        %parallel_loop3A_112 = arith.addi %parallel_loop3A_70, %parallel_loop3A_111 : vector<16xi32>
        tpu.vector_store_idx %arg7[%parallel_loop3A_112], %parallel_loop3A_109 : memref<16384xf32, #tpu.memory_space<vmem>>[vector<16xi32>], vector<16xf32>,
        %parallel_loop3A_113 = arith.constant 6 : i32
        %parallel_loop3A_114 = arith.index_cast %parallel_loop3A_113 : i32 to index
        %parallel_loop3A_115 = arith.index_cast %parallel_loop3A_66 : i32 to index
        %parallel_loop3A_116 = tpu.vector_load %arg5[%parallel_loop3A_114, %parallel_loop3A_115] {strides = array<i32>} : memref<16x1024xf32, #tpu.memory_space<vmem>>, vector<16xf32>,
        %parallel_loop3A_117 = arith.constant 6 : i32
        %parallel_loop3A_118 = vector.broadcast %parallel_loop3A_117 : i32 to vector<16xi32>
        %parallel_loop3A_119 = arith.addi %parallel_loop3A_70, %parallel_loop3A_118 : vector<16xi32>
        tpu.vector_store_idx %arg7[%parallel_loop3A_119], %parallel_loop3A_116 : memref<16384xf32, #tpu.memory_space<vmem>>[vector<16xi32>], vector<16xf32>,
        %parallel_loop3A_120 = arith.constant 7 : i32
        %parallel_loop3A_121 = arith.index_cast %parallel_loop3A_120 : i32 to index
        %parallel_loop3A_122 = arith.index_cast %parallel_loop3A_66 : i32 to index
        %parallel_loop3A_123 = tpu.vector_load %arg5[%parallel_loop3A_121, %parallel_loop3A_122] {strides = array<i32>} : memref<16x1024xf32, #tpu.memory_space<vmem>>, vector<16xf32>,
        %parallel_loop3A_124 = arith.constant 7 : i32
        %parallel_loop3A_125 = vector.broadcast %parallel_loop3A_124 : i32 to vector<16xi32>
        %parallel_loop3A_126 = arith.addi %parallel_loop3A_70, %parallel_loop3A_125 : vector<16xi32>
        tpu.vector_store_idx %arg7[%parallel_loop3A_126], %parallel_loop3A_123 : memref<16384xf32, #tpu.memory_space<vmem>>[vector<16xi32>], vector<16xf32>,
        %parallel_loop3A_127 = arith.constant 8 : i32
        %parallel_loop3A_128 = arith.index_cast %parallel_loop3A_127 : i32 to index
        %parallel_loop3A_129 = arith.index_cast %parallel_loop3A_66 : i32 to index
        %parallel_loop3A_130 = tpu.vector_load %arg5[%parallel_loop3A_128, %parallel_loop3A_129] {strides = array<i32>} : memref<16x1024xf32, #tpu.memory_space<vmem>>, vector<16xf32>,
        %parallel_loop3A_131 = arith.constant 8 : i32
        %parallel_loop3A_132 = vector.broadcast %parallel_loop3A_131 : i32 to vector<16xi32>
        %parallel_loop3A_133 = arith.addi %parallel_loop3A_70, %parallel_loop3A_132 : vector<16xi32>
        tpu.vector_store_idx %arg7[%parallel_loop3A_133], %parallel_loop3A_130 : memref<16384xf32, #tpu.memory_space<vmem>>[vector<16xi32>], vector<16xf32>,
        %parallel_loop3A_134 = arith.constant 9 : i32
        %parallel_loop3A_135 = arith.index_cast %parallel_loop3A_134 : i32 to index
        %parallel_loop3A_136 = arith.index_cast %parallel_loop3A_66 : i32 to index
        %parallel_loop3A_137 = tpu.vector_load %arg5[%parallel_loop3A_135, %parallel_loop3A_136] {strides = array<i32>} : memref<16x1024xf32, #tpu.memory_space<vmem>>, vector<16xf32>,
        %parallel_loop3A_138 = arith.constant 9 : i32
        %parallel_loop3A_139 = vector.broadcast %parallel_loop3A_138 : i32 to vector<16xi32>
        %parallel_loop3A_140 = arith.addi %parallel_loop3A_70, %parallel_loop3A_139 : vector<16xi32>
        tpu.vector_store_idx %arg7[%parallel_loop3A_140], %parallel_loop3A_137 : memref<16384xf32, #tpu.memory_space<vmem>>[vector<16xi32>], vector<16xf32>,
        %parallel_loop3A_141 = arith.constant 10 : i32
        %parallel_loop3A_142 = arith.index_cast %parallel_loop3A_141 : i32 to index
        %parallel_loop3A_143 = arith.index_cast %parallel_loop3A_66 : i32 to index
        %parallel_loop3A_144 = tpu.vector_load %arg5[%parallel_loop3A_142, %parallel_loop3A_143] {strides = array<i32>} : memref<16x1024xf32, #tpu.memory_space<vmem>>, vector<16xf32>,
        %parallel_loop3A_145 = arith.constant 10 : i32
        %parallel_loop3A_146 = vector.broadcast %parallel_loop3A_145 : i32 to vector<16xi32>
        %parallel_loop3A_147 = arith.addi %parallel_loop3A_70, %parallel_loop3A_146 : vector<16xi32>
        tpu.vector_store_idx %arg7[%parallel_loop3A_147], %parallel_loop3A_144 : memref<16384xf32, #tpu.memory_space<vmem>>[vector<16xi32>], vector<16xf32>,
        %parallel_loop3A_148 = arith.constant 11 : i32
        %parallel_loop3A_149 = arith.index_cast %parallel_loop3A_148 : i32 to index
        %parallel_loop3A_150 = arith.index_cast %parallel_loop3A_66 : i32 to index
        %parallel_loop3A_151 = tpu.vector_load %arg5[%parallel_loop3A_149, %parallel_loop3A_150] {strides = array<i32>} : memref<16x1024xf32, #tpu.memory_space<vmem>>, vector<16xf32>,
        %parallel_loop3A_152 = arith.constant 11 : i32
        %parallel_loop3A_153 = vector.broadcast %parallel_loop3A_152 : i32 to vector<16xi32>
        %parallel_loop3A_154 = arith.addi %parallel_loop3A_70, %parallel_loop3A_153 : vector<16xi32>
        tpu.vector_store_idx %arg7[%parallel_loop3A_154], %parallel_loop3A_151 : memref<16384xf32, #tpu.memory_space<vmem>>[vector<16xi32>], vector<16xf32>,
        %parallel_loop3A_155 = arith.constant 12 : i32
        %parallel_loop3A_156 = arith.index_cast %parallel_loop3A_155 : i32 to index
        %parallel_loop3A_157 = arith.index_cast %parallel_loop3A_66 : i32 to index
        %parallel_loop3A_158 = tpu.vector_load %arg5[%parallel_loop3A_156, %parallel_loop3A_157] {strides = array<i32>} : memref<16x1024xf32, #tpu.memory_space<vmem>>, vector<16xf32>,
        %parallel_loop3A_159 = arith.constant 12 : i32
        %parallel_loop3A_160 = vector.broadcast %parallel_loop3A_159 : i32 to vector<16xi32>
        %parallel_loop3A_161 = arith.addi %parallel_loop3A_70, %parallel_loop3A_160 : vector<16xi32>
        tpu.vector_store_idx %arg7[%parallel_loop3A_161], %parallel_loop3A_158 : memref<16384xf32, #tpu.memory_space<vmem>>[vector<16xi32>], vector<16xf32>,
        %parallel_loop3A_162 = arith.constant 13 : i32
        %parallel_loop3A_163 = arith.index_cast %parallel_loop3A_162 : i32 to index
        %parallel_loop3A_164 = arith.index_cast %parallel_loop3A_66 : i32 to index
        %parallel_loop3A_165 = tpu.vector_load %arg5[%parallel_loop3A_163, %parallel_loop3A_164] {strides = array<i32>} : memref<16x1024xf32, #tpu.memory_space<vmem>>, vector<16xf32>,
        %parallel_loop3A_166 = arith.constant 13 : i32
        %parallel_loop3A_167 = vector.broadcast %parallel_loop3A_166 : i32 to vector<16xi32>
        %parallel_loop3A_168 = arith.addi %parallel_loop3A_70, %parallel_loop3A_167 : vector<16xi32>
        tpu.vector_store_idx %arg7[%parallel_loop3A_168], %parallel_loop3A_165 : memref<16384xf32, #tpu.memory_space<vmem>>[vector<16xi32>], vector<16xf32>,
        %parallel_loop3A_169 = arith.constant 14 : i32
        %parallel_loop3A_170 = arith.index_cast %parallel_loop3A_169 : i32 to index
        %parallel_loop3A_171 = arith.index_cast %parallel_loop3A_66 : i32 to index
        %parallel_loop3A_172 = tpu.vector_load %arg5[%parallel_loop3A_170, %parallel_loop3A_171] {strides = array<i32>} : memref<16x1024xf32, #tpu.memory_space<vmem>>, vector<16xf32>,
        %parallel_loop3A_173 = arith.constant 14 : i32
        %parallel_loop3A_174 = vector.broadcast %parallel_loop3A_173 : i32 to vector<16xi32>
        %parallel_loop3A_175 = arith.addi %parallel_loop3A_70, %parallel_loop3A_174 : vector<16xi32>
        tpu.vector_store_idx %arg7[%parallel_loop3A_175], %parallel_loop3A_172 : memref<16384xf32, #tpu.memory_space<vmem>>[vector<16xi32>], vector<16xf32>,
        %parallel_loop3A_176 = arith.constant 15 : i32
        %parallel_loop3A_177 = arith.index_cast %parallel_loop3A_176 : i32 to index
        %parallel_loop3A_178 = arith.index_cast %parallel_loop3A_66 : i32 to index
        %parallel_loop3A_179 = tpu.vector_load %arg5[%parallel_loop3A_177, %parallel_loop3A_178] {strides = array<i32>} : memref<16x1024xf32, #tpu.memory_space<vmem>>, vector<16xf32>,
        %parallel_loop3A_180 = arith.constant 15 : i32
        %parallel_loop3A_181 = vector.broadcast %parallel_loop3A_180 : i32 to vector<16xi32>
        %parallel_loop3A_182 = arith.addi %parallel_loop3A_70, %parallel_loop3A_181 : vector<16xi32>
        tpu.vector_store_idx %arg7[%parallel_loop3A_182], %parallel_loop3A_179 : memref<16384xf32, #tpu.memory_space<vmem>>[vector<16xi32>], vector<16xf32>,
      } {sc.loop_unroll_factor = 2 : i64, sc.parallel_access}
      "tpu.region"() ({
        %run_scoped3A = tpu.sem_alloc : memref<!tpu.dma_semaphore, #tpu.memory_space<semaphore_mem>>
        %dma_start3A_64 = arith.constant 0 : i32
        %dma_start3A_65 = tpu.memref_slice %arg7[%dma_start3A_64] : memref<16384xf32, #tpu.memory_space<vmem>> -> memref<8192xf32, #tpu.memory_space<vmem>>
        %dma_start3A_66 = arith.constant 15990784 : i32
        %dma_start3A_67 = tpu.memref_slice %arg4[%dma_start3A_66] : memref<16000000xf32, #tpu.memory_space<hbm>> -> memref<8192xf32, #tpu.memory_space<hbm>>
        %dma_start3A_68 = arith.constant 15990784 : i32
        %dma_start3A_69 = tpu.memref_slice %arg4[%dma_start3A_68] : memref<16000000xf32, #tpu.memory_space<hbm>> -> memref<8192xf32, #tpu.memory_space<hbm>>
        %dma_start3A_70 = arith.constant 0 : i32
        %dma_start3A_71 = tpu.memref_slice %arg7[%dma_start3A_70] : memref<16384xf32, #tpu.memory_space<vmem>> -> memref<8192xf32, #tpu.memory_space<vmem>>
        tpu.enqueue_dma source(%dma_start3A_71 : memref<8192xf32, #tpu.memory_space<vmem>>) target(%dma_start3A_69 : memref<8192xf32, #tpu.memory_space<hbm>>) target_semaphore(%run_scoped3A : memref<!tpu.dma_semaphore, #tpu.memory_space<semaphore_mem>>)
        %dma_wait3A_72 = arith.constant 0 : i32
        %dma_wait3A_73 = tpu.memref_slice %arg7[%dma_wait3A_72] : memref<16384xf32, #tpu.memory_space<vmem>> -> memref<8192xf32, #tpu.memory_space<vmem>>
        %dma_wait3A_74 = arith.constant 15990784 : i32
        %dma_wait3A_75 = tpu.memref_slice %arg4[%dma_wait3A_74] : memref<16000000xf32, #tpu.memory_space<hbm>> -> memref<8192xf32, #tpu.memory_space<hbm>>
        %dma_wait3A_76 = arith.constant 15990784 : i32
        %dma_wait3A_77 = tpu.memref_slice %arg4[%dma_wait3A_76] : memref<16000000xf32, #tpu.memory_space<hbm>> -> memref<8192xf32, #tpu.memory_space<hbm>>
        %dma_wait3A_78 = arith.constant 0 : i32
        %dma_wait3A_79 = tpu.memref_slice %arg7[%dma_wait3A_78] : memref<16384xf32, #tpu.memory_space<vmem>> -> memref<8192xf32, #tpu.memory_space<vmem>>
        tpu.wait_dma2 semaphore(%run_scoped3A : memref<!tpu.dma_semaphore, #tpu.memory_space<semaphore_mem>>) src(%dma_wait3A_79 : memref<8192xf32, #tpu.memory_space<vmem>>) dst(%dma_wait3A_77 : memref<8192xf32, #tpu.memory_space<hbm>>)
        tpu.yield
      }) : () -> ()
    } else {
    }
    %eq3A_33 = arith.constant 17 : i32
    %eq3A_34 = arith.cmpi eq, %add3A, %eq3A_33 : i32
    %convert_element_type3A_35 = arith.extui %eq3A_34 : i1 to i32
    %cond3A_36 = arith.constant 0 : i32
    %cond3A_37 = arith.cmpi ne, %convert_element_type3A_35, %cond3A_36 : i32
    scf.if %cond3A_37 {
      "tpu.region"() ({
        %run_scoped3A = tpu.sem_alloc : memref<!tpu.dma_semaphore, #tpu.memory_space<semaphore_mem>>
        tpu.enqueue_dma source(%arg3 : memref<1024xf32, #tpu.memory_space<hbm>>) target(%arg9 : memref<1024xf32, #tpu.memory_space<vmem>>) target_semaphore(%run_scoped3A : memref<!tpu.dma_semaphore, #tpu.memory_space<semaphore_mem>>)
        tpu.wait_dma2 semaphore(%run_scoped3A : memref<!tpu.dma_semaphore, #tpu.memory_space<semaphore_mem>>) src(%arg3 : memref<1024xf32, #tpu.memory_space<hbm>>) dst(%arg9 : memref<1024xf32, #tpu.memory_space<vmem>>)
        tpu.yield
      }) : () -> ()
      "tpu.region"() ({
        %run_scoped3A = tpu.sem_alloc : memref<!tpu.dma_semaphore, #tpu.memory_space<semaphore_mem>>
        %dma_start3A_38 = arith.constant 15998976 : i32
        %dma_start3A_39 = tpu.memref_slice %arg4[%dma_start3A_38] : memref<16000000xf32, #tpu.memory_space<hbm>> -> memref<1024xf32, #tpu.memory_space<hbm>>
        %dma_start3A_40 = arith.constant 15998976 : i32
        %dma_start3A_41 = tpu.memref_slice %arg4[%dma_start3A_40] : memref<16000000xf32, #tpu.memory_space<hbm>> -> memref<1024xf32, #tpu.memory_space<hbm>>
        tpu.enqueue_dma source(%arg9 : memref<1024xf32, #tpu.memory_space<vmem>>) target(%dma_start3A_41 : memref<1024xf32, #tpu.memory_space<hbm>>) target_semaphore(%run_scoped3A : memref<!tpu.dma_semaphore, #tpu.memory_space<semaphore_mem>>)
        %dma_wait3A_42 = arith.constant 15998976 : i32
        %dma_wait3A_43 = tpu.memref_slice %arg4[%dma_wait3A_42] : memref<16000000xf32, #tpu.memory_space<hbm>> -> memref<1024xf32, #tpu.memory_space<hbm>>
        %dma_wait3A_44 = arith.constant 15998976 : i32
        %dma_wait3A_45 = tpu.memref_slice %arg4[%dma_wait3A_44] : memref<16000000xf32, #tpu.memory_space<hbm>> -> memref<1024xf32, #tpu.memory_space<hbm>>
        tpu.wait_dma2 semaphore(%run_scoped3A : memref<!tpu.dma_semaphore, #tpu.memory_space<semaphore_mem>>) src(%arg9 : memref<1024xf32, #tpu.memory_space<vmem>>) dst(%dma_wait3A_45 : memref<1024xf32, #tpu.memory_space<hbm>>)
        tpu.yield
      }) : () -> ()
    } else {
    }
    return
  }
}

</mosaic_0001>

<sc_bundles>
// kernel: _sc_shuffle.3.cloned.1.call-start
scs
__scs_entry_jumppad:
0x0: {  	(pc) =	sbr.rel $0x88, $3  }
0x1: {  	(tag) =	ssettag $0x0;
	lr =	simm.s32 $0x1  }
0x2: {  	[smem:$0x3F9F] =	sst lr;
	_ =	strace $0xD0000000  }
0x3: {  	_ = 	snop  }
0x4: {  	_ = 	snop  }
0x5: {  	_ = 	snop  }
0x6: {  	_ = 	snop  }
0x7: {  	_ = 	snop  }
__scs_overlays_trampoline_lowered:
0x8: {  	[smem:$0x3FAE] =	sst s0  }
0x9: {  	[smem:$0x3FAF] =	sst s1  }
0xa: {  	[smem:$0x3FB0] =	sst s2  }
0xb: {  	[smem:$0x3FB1] =	sst s3  }
0xc: {  	[smem:$0x3FB2] =	sst s4  }
0xd: {  	[smem:$0x3FB3] =	sst s5  }
0xe: {  	[smem:$0x3FB4] =	sst s6  }
0xf: {  	[smem:$0x3FB5] =	sst s7  }
0x10: {  	[smem:$0x3FB6] =	sst s8  }
0x11: {  	[smem:$0x3FB7] =	sst s9;
	s0 =	simm.s32 @!p0 $0x0  }
0x12: {  	s1 =	sld [smem:$0x3F9D];
	s0 =	simm.s32 @p0 $0x1  }
0x13: {  	[smem:$0x3FB8] =	sst s0;
	s0 =	simm.s32 @!p1 $0x0  }
0x14: {  	s2 =	sld [smem:$0x3F9C];
	s0 =	simm.s32 @p1 $0x1  }
0x15: {  	[smem:$0x3FB9] =	sst s0;
	s0 =	simm.s32 @!p2 $0x0  }
0x16: {  	s3 =	sld [smem:$0x3FDB];
	s0 =	simm.s32 @p2 $0x1  }
0x17: {  	s4 =	simm.s32 $0x1BF5;
	[smem:$0x3FBB] =	sst s0  }
0x18: {  	s0 =	sld [smem:$0x3F9E];
	_ =	swait.ge [sflag:s4], $0x0  }
0x19: {  	s7 =	sld [smem:$0x3F9F]  }
0x1a: {  	s8 =	sadd.s32 $0xFFFFE003, lr  }
0x1b: {  	s9 =	sadd.s32 $0xFFFFFEF7, lr;
	s5 =	simm.s32 $0xFFFFFFFF;
	p2 =	slt.u32 s8, $0xFFFFF086  }
0x1c: {  	p1 =	slt.u32 s9, $0xF7A;
	s5 =	simm.s32 @!p2 $0x0  }
0x1d: {  	s5 =	simm.s32 @p1 $0x1;
	p0 =	seq.s32 s7, s2  }
0x1e: {  	s7 =	smul.u32 @!p0 $0xF7A, s2;
	p2 =	seq.s32 @!p0 s5, $0x0  }
0x1f: {  	s9 =	smul.u32 $0xF7A, s1;
	s8 =	simm.s32 @!p0 $0x1BF5;
	p2 =	por !p2, p0  }
0x20: {  	[sflag:s8] =	ssyncset.s32 @!p0 $0xFFFFF086;
	s6 =	sadd.s32 @!p0 s3, s7;
	s7 =	simm.s32 @!p0 $0x108  }
0x21: {  	s3 =	sadd.s32 s3, s9;
	s6 =	sadd.s32 @!p0 $0x88, s6;
	s7 =	simm.s32 @p2 $0x1082  }
0x22: {  	[simem:s7], [sflag:s8] =	dma.local @!p0 [hbm:s6], $0xF7A  }
0x23: {  	s9 =	sor.u32 $0xD0000000, s2;
	s6 =	simm.s32 $0x108;
	_ =	swait.ge @!p0 [sflag:s8], $0x0  }
0x24: {  	s3 =	sadd.s32 $0x88, s3;
	s6 =	simm.s32 @!p1 $0x1082;
	[sflag:s4] =	ssyncset.s32 $0xFFFFF086  }
0x25: {  	[simem:s6], [sflag:s4] =	dma.local [hbm:s3], $0xF7A  }
0x26: {  	[smem:$0x3F9F] =	sst s1;
	(tag) =	ssettag s2;
	_ =	strace s9  }
0x27: {  	s1 =	sld [smem:$0x3FAF]  }
0x28: {  	s2 =	sld [smem:$0x3FB0]  }
0x29: {  	s4 =	sld [smem:$0x3FB2]  }
0x2a: {  	p0 =	seq.s32 s5, $0x0;
	s5 =	sld [smem:$0x3FB3]  }
0x2b: {  	s6 =	sld [smem:$0x3FB4]  }
0x2c: {  	s7 =	sld [smem:$0x3FB5]  }
0x2d: {  	s3 =	simm.s32 $0x108;
	s8 =	sld [smem:$0x3FB6]  }
0x2e: {  	s3 =	simm.s32 @!p0 $0x1082;
	s9 =	sld [smem:$0x3FB7]  }
0x2f: {  	lr =	sadd.s32 s0, s3;
	s0 =	sld [smem:$0x3FAE]  }
0x30: {  	s3 =	sld [smem:$0x3FB1]  }
0x31: {  	[smem:$0x3FBA] =	sst s10  }
0x32: {  	s10 =	sld [smem:$0x3FB8];
	_ =	sdelay $0x3  }
0x33: {  	p0 =	seq.s32 s10, $0x1;
	s10 =	sld [smem:$0x3FBA];
	_ =	sdelay $0x3  }
0x34: {  	[smem:$0x3FBA] =	sst s10  }
0x35: {  	s10 =	sld [smem:$0x3FB9];
	_ =	sdelay $0x3  }
0x36: {  	p1 =	seq.s32 s10, $0x1;
	s10 =	sld [smem:$0x3FBA];
	_ =	sdelay $0x3  }
0x37: {  	[smem:$0x3FBA] =	sst s10  }
0x38: {  	s10 =	sld [smem:$0x3FBB]  }
0x39: {  	_ = 	snop;
	(pc) =	sbr.ind lr, $3  }
0x3a: {  	_ = 	snop  }
0x3b: {  	_ = 	snop  }
0x3c: {  	p2 =	seq.s32 s10, $0x1;
	s10 =	sld [smem:$0x3FBA]  }
0x3d: {  	_ =	shalt  }
0x3e: {  	_ =	shalt  }
0x3f: {  	_ =	shalt  }
0x40: {  	_ =	shalt  }
0x41: {  	_ =	shalt  }
0x42: {  	_ =	shalt  }
0x43: {  	_ =	shalt  }
0x44: {  	_ =	shalt  }
0x45: {  	_ =	shalt  }
0x46: {  	_ =	shalt  }
0x47: {  	_ =	shalt  }
0x48: {  	_ =	shalt  }
0x49: {  	_ =	shalt  }
0x4a: {  	_ =	shalt  }
0x4b: {  	_ =	shalt  }
0x4c: {  	_ =	shalt  }
0x4d: {  	_ =	shalt  }
0x4e: {  	_ =	shalt  }
0x4f: {  	_ =	shalt  }
0x50: {  	_ =	shalt  }
0x51: {  	_ =	shalt  }
0x52: {  	_ =	shalt  }
0x53: {  	_ =	shalt  }
0x54: {  	_ =	shalt  }
0x55: {  	_ =	shalt  }
0x56: {  	_ =	shalt  }
0x57: {  	_ =	shalt  }
0x58: {  	_ =	shalt  }
0x59: {  	_ =	shalt  }
0x5a: {  	_ =	shalt  }
0x5b: {  	_ =	shalt  }
0x5c: {  	_ =	shalt  }
0x5d: {  	_ =	shalt  }
0x5e: {  	_ =	shalt  }
0x5f: {  	_ =	shalt  }
0x60: {  	_ =	shalt  }
0x61: {  	_ =	shalt  }
0x62: {  	_ =	shalt  }
0x63: {  	_ =	shalt  }
0x64: {  	_ =	shalt  }
0x65: {  	_ =	shalt  }
0x66: {  	_ =	shalt  }
0x67: {  	_ =	shalt  }
0x68: {  	_ =	shalt  }
0x69: {  	_ =	shalt  }
0x6a: {  	_ =	shalt  }
0x6b: {  	_ =	shalt  }
0x6c: {  	_ =	shalt  }
0x6d: {  	_ =	shalt  }
0x6e: {  	_ =	shalt  }
0x6f: {  	_ =	shalt  }
0x70: {  	_ =	shalt  }
0x71: {  	_ =	shalt  }
0x72: {  	_ =	shalt  }
0x73: {  	_ =	shalt  }
0x74: {  	_ =	shalt  }
0x75: {  	_ =	shalt  }
0x76: {  	_ =	shalt  }
0x77: {  	_ =	shalt  }
0x78: {  	_ =	shalt  }
0x79: {  	_ =	shalt  }
0x7a: {  	_ =	shalt  }
0x7b: {  	_ =	shalt  }
0x7c: {  	_ =	shalt  }
0x7d: {  	_ =	shalt  }
0x7e: {  	_ =	shalt  }
0x7f: {  	_ =	shalt  }
0x80: {  	_ =	shalt  }
0x81: {  	_ =	shalt  }
0x82: {  	_ =	shalt  }
0x83: {  	_ =	shalt  }
0x84: {  	_ =	shalt  }
0x85: {  	_ =	shalt  }
0x86: {  	_ =	shalt  }
0x87: {  	_ =	shalt  }
.Lfunc_end0:
.L_simem_size_0:
called_computation_lowered:
.L_overlay_start_0:
0x88: {  	s2 =	sld [smem:$0x3FD9]  }
0x89: {  	s3 =	sld [smem:$0x3FFE];
	_ =	sdelay $0x1  }
0x8a: {  	s1 =	srdreg.scid  }
0x8b: {  	s0 =	sand.u32 $0x1, s1  }
0x8c: {  	s18 =	sshll.u32 s0, $0xA;
	s2 =	sadd.s32 s3, s2  }
0x8d: {  	s2 =	sadd.s32 s2, s18  }
0x8e: {  	[smem:$0x3FC6] =	sst s2  }
0x8f: {  	_ = 	snop  }
0x90: {  	s2 =	sld [smem:$0x3FC9]  }
0x91: {  	s19 =	sld [smem:$0x3FC8]  }
0x92: {  	s4 =	sld [smem:$0x3FD0];
	(tm) =	ssettm $0x1  }
0x93: {  	s5 =	sld [smem:$0x3FFB];
	_ =	sdelay $0x3  }
0x94: {  	_ =	strace s5  }
0x95: {  	s5 =	sld [smem:$0x3FFC];
	_ =	sdelay $0x3  }
0x96: {  	_ =	strace s5  }
0x97: {  	s5 =	sld [smem:$0x3FFD];
	_ =	sdelay $0x3  }
0x98: {  	_ =	strace s5  }
0x99: {  	_ =	strace $0x8FFFFFFF  }
0x9a: {  	s20 =	sld [smem:$0x3FDB];
	_ =	sdelay $0x1  }
0x9b: {  	s6 =	simm.s32 $_scs_section_size  }
0x9c: {  	s7 =	simm.s32 $_size__tile_overlayer_lowered;
	s8 =	simm.s32 $_tile_overlayer_lowered  }
0x9d: {  	s23 =	simm.s32 $0x1BFF;
	s22 =	sshll.u32 s8, $0x1;
	s5 =	sadd.s32 s6, s20  }
0x9e: {  	s9 =	simm.s32 $0x0;
	s21 =	sshll.u32 s7, $0x1;
	s7 =	sadd.s32 s22, s5  }
0x9f: {  	[timem:s9], [sflag:s23] =	dma.local [hbm:s7], s21  }
0xa0: {  	_ =	swait.ge [sflag:s23], s21  }
0xa1: {  	s6 =	ssub.s32 $0x0, s21;
	[sflag:s23] =	ssyncset.done $0x0  }
0xa2: {  	[sflag:s23] =	ssyncadd.s32 s6;
	_ =	sdelay $0x1  }
0xa3: {  	s24 =	simm.s32 $0x1B8B  }
0xa4: {  	_ =	swait.ge [sflag:s24], $0x1  }
0xa5: {  	[sflag:s24] =	ssyncset.done $0x0  }
0xa6: {  	s25 =	simm.s32 $0x1B8E;
	[sflag:s24] =	ssyncadd.s32 $0xFFFFFFFF  }
0xa7: {  	s26 =	simm.s32 $execute0_lowered;
	[smem:$0x3FD2] =	sst s25  }
0xa8: {  	s6 =	sshll.u32 s26, $0x1;
	_ =	strace $0x80000046;
	[dreg:$0x1] =	wrdreg $0xFFFFFFFF  }
0xa9: {  	s28 =	simm.s32 $_size_execute0_lowered;
	s5 =	sadd.s32 s5, s6;
	[dreg:$0x0] =	wrdreg $0x0  }
0xaa: {  	s6 =	sshll.u32 s28, $0x1;
	[dreg:$0x2] =	wrdreg s5  }
0xab: {  	[dreg:$0x3] =	wrdreg s6  }
0xac: {  	[dreg:$0x4] =	wrdreg $0xC0  }
0xad: {  	_ =	task [dreg:s9], $0x5FFFF  }
0xae: {  	[dreg:$0x1] =	wrdreg $0xFFFFFFFF  }
0xaf: {  	[dreg:$0x0] =	wrdreg $0x60  }
0xb0: {  	[dreg:$0x2] =	wrdreg s2  }
0xb1: {  	[dreg:$0x3] =	wrdreg s19  }
0xb2: {  	[dreg:$0x4] =	wrdreg s4  }
0xb3: {  	[dreg:$0x5] =	wrdreg $0x9  }
0xb4: {  	_ =	task.clear_ibuf [dreg:s9], $0x6FFFF;
	_ =	strace $0x90000046  }
0xb5: {  	s29 =	simm.s32 $0x9;
	_ =	strace $0x80000048  }
0xb6: {  	_ =	swait.ge [sflag:s29], $0x1  }
0xb7: {  	[sflag:s29] =	ssyncadd.s32 $0xFFFFFFFF  }
0xb8: {  	_ =	strace $0x90000048  }
0xb9: {  	_ =	sfence  }
0xba: {  	s30 =	sld [smem:$0x0];
	_ =	sdelay $0x2  }
0xbb: {  	s31 =	sshll.u32 s1, $0xD;
	s1 =	sshrl.u32 s1, $0x2  }
0xbc: {  	s3 =	sand.u32 $0x4000, s31;
	s1 =	sadd.s32 s1, s30  }
0xbd: {  	s0 =	sor.u32 s3, s0;
	s1 =	sshll.u32 s1, $0x11  }
0xbe: {  	s0 =	sor.u32 s1, s0  }
0xbf: {  	s0 =	sadd.s32 $0x8F2B, s0  }
0xc0: {  	[sflag:s0] =	ssyncadd.remote.s32 $0x1  }
0xc1: {  	_ =	sfence.sel $0xFFFF  }
0xc2: {  	[dreg:$0x0] =	wrdreg $0xFFFFFFFF;
	(pc) =	sbr.abs _section_cstart, $3  }
0xc3: {  	[dreg:$0x1] =	wrdreg $0xFFFFFFFF  }
0xc4: {  	_ =	task.clear_ibuf [dreg:s9], $0x2FFFF;
	_ =	strace $0x9FFFFFFF  }
0xc5: {  	(tm) =	ssettm $0x7FFFFFFF  }
tec
execute0_lowered:
.L_overlay_start_1:
0x0: {  	(tag) =	ssettag $0x1  }
0x1: {  	s3 =	rddreg [dreg:$0x0]  }
0x2: {  	s4 =	rddreg [dreg:$0x2];
	s0 =	srdreg.scid  }
0x3: {  	s1 =	stileid.u32;
	s5 =	simm.s32 $0x0;
	s30 =	simm.s32 $0x8000  }
0x4: {  	s0 =	sand.u32 $0x1, s0;
	[smem:$0x7FF] =	sst s5;
	s28 =	sadd.s32 $0x1E8400, s4  }
0x5: {  	v0 =	vlaneseq.u32;
	s29 =	sadd.s32 $0xF4000, s3;
	_ =	strace $0x80000047;
	[dreg:$0x10] =	wrdreg s28  }
0x6: {  	s1 =	sshll.u32 s1, $0x1;
	v1 =	vand.u32 $0x7, v0;
	v0 =	vmul.u32 $0x10, v0;
	s31 =	sadd.s32 $0x1E8000, s4;
	[dreg:$0x11] =	wrdreg s29  }
0x7: {  	s2 =	ssub.s32 $0x2, s0;
	s6 =	sor.u32 s0, s1;
	[dreg:$0x12] =	wrdreg s31  }
0x8: {  	v17 =	vmul.u32 $0x10, v1;
	s1 =	sshll.u32 s6, $0xA;
	s25 =	sor.u32 $0x40, s6;
	v2 =	vor.u32 $0x1, v0;
	v3 =	vor.u32 $0x2, v0;
	[dreg:$0xb] =	wrdreg s6  }
.Ltmp0:
0x9: {  	s26 =	sor.u32 $0x60, s6;
	v4 =	vor.u32 $0x3, v0;
	v5 =	vor.u32 $0x4, v0;
	v6 =	vor.u32 $0x5, v0;
	[dreg:$0xe] =	wrdreg s25;
	(pc) =	sbr.rel .LBB2_1-.Ltmp0, $4  }
0xa: {  	s24 =	sshrl.u32 s2, $0x1;
	v7 =	vor.u32 $0x6, v0;
	v8 =	vor.u32 $0x7, v0;
	v9 =	vor.u32 $0x8, v0;
	s1 =	sadd.s32 s3, s1;
	[dreg:$0xf] =	wrdreg s26  }
0xb: {  	v10 =	vor.u32 $0x9, v0;
	v11 =	vor.u32 $0xA, v0;
	v12 =	vor.u32 $0xB, v0;
	s0 =	ssub.s32 s2, s24;
	[dreg:$0xc] =	wrdreg s1;
	s1 =	sadd.s32 $0x8000, s1  }
0xc: {  	v13 =	vor.u32 $0xC, v0;
	v14 =	vor.u32 $0xD, v0;
	p0 =	seq.s32 s6, $0x11;
	v15 =	vor.u32 $0xE, v0;
	s0 =	smax.u32 s0, $0x1;
	[dreg:$0xd] =	wrdreg s1  }
0xd: {  	v16 =	vor.u32 $0xF, v0;
	p1 =	sne.s32 s6, $0x10;
	v1 =	vor.u32 $0xFFFFFE80, v17;
	v17 =	vor.u32 $0xFFFFFF80, v17;
	[dreg:$0x13] =	wrdreg s0;
	s1 =	simm.s32 $0x0  }
.LBB2_16:
0xe: {  	s0 =	rddreg [dreg:$0x1]  }
0xf: {  	s1 =	simm.s32 $0x0;
	s2 =	simm.s32 $0x10000;
	s3 =	simm.s32 $0x5  }
0x10: {  	[tilespmem:s2], [sflag:$0x5] =	stream.linear.gather [hbm4b:s0+s1], $0x400, $0x38;
	[tilespmem:$0x10400] =	vst v63  }
0x11: {  	_ =	swait.ge [sflag:s3], $0x400  }
0x12: {  	[sflag:s3] =	ssyncset.done $0x0  }
0x13: {  	s31 =	rddreg [dreg:$0x10];
	[sflag:s3] =	ssyncadd.s32 $0xFFFFFC00  }
0x14: {  	[hbm4b:s31+s1] =	stream.linear.scatter [tilespmem:s2], [sflag:$0x5], $0x400, $0x38;
	[tilespmem:$0x10400] =	vst v63  }
0x15: {  	_ =	swait.ge [sflag:s3], $0x400  }
0x16: {  	[sflag:s3] =	ssyncset.done $0x0  }
0x17: {  	s1 =	rddreg [dreg:$0x14];
	[sflag:s3] =	ssyncadd.s32 $0xFFFFFC00  }
.LBB2_17:
0x18: {  	s1 =	sadd.s32 $0x1, s1;
	s0 =	rddreg [dreg:$0x13]  }
0x19: {  	p2 =	sne.s32 s1, s0  }
.Ltmp1:
0x1a: {  	_ = 	snop;
	(pc) =	sbr.rel @!p2 .LBB2_18-.Ltmp1, $1  }
0x1b: {  	_ =	sdelay $0x3  }
.LBB2_1:
.Ltmp2:
0x1c: {  	[dreg:$0x14] =	wrdreg s1;
	s0 =	simm.s32 $0x0;
	(pc) =	sbr.rel .LBB2_2-.Ltmp2, $4  }
0x1d: {  	s28 =	rddreg [dreg:$0xc];
	s2 =	simm.s32 $0x2000;
	s3 =	simm.s32 $0x7A1400  }
0x1e: {  	[tilespmem:s0], [sflag:$0x1] =	stream.strided.gather [hbm4b:s28+s2], $0x4000, s3, s2, $0x38;
	[tilespmem:$0x10400] =	vst v63  }
0x1f: {  	s29 =	rddreg [dreg:$0xd];
	s31 =	simm.s32 $0x4000;
	s1 =	simm.s32 $0x0  }
0x20: {  	[tilespmem:s31], [sflag:$0x2] =	stream.strided.gather [hbm4b:s29+s2], $0x4000, s3, s2, $0x38;
	[tilespmem:$0x10400] =	vst v63  }
.LBB2_10:
0x21: {  	s1 =	sadd.s32 $0x1, s1  }
0x22: {  	p2 =	sne.s32 s1, $0x10  }
.Ltmp3:
0x23: {  	_ = 	snop;
	(pc) =	sbr.rel @!p2 .LBB2_11-.Ltmp3, $1  }
0x24: {  	_ =	sdelay $0x3  }
.LBB2_2:
0x25: {  	s2 =	sshll.u32 s1, $0x6;
	s0 =	rddreg [dreg:$0xb]  }
0x26: {  	s4 =	sor.u32 s0, s2  }
0x27: {  	p3 =	sgt.u32 s4, $0x3CF  }
.Ltmp4:
0x28: {  	_ = 	snop;
	(pc) =	sbr.rel @p3 .LBB2_6-.Ltmp4, $3  }
0x29: {  	_ =	sdelay $0x1  }
0x2a: {  	[dreg:$0x15] =	wrdreg s1  }
0x2b: {  	p2 =	seq.s32 s1, $0x0;
	[dreg:$0x16] =	wrdreg s2  }
0x2c: {  	[dreg:$0x18] =	wrdreg s4;
	s0 =	simm.s32 $0x1  }
0x2d: {  	_ =	swait.ge [sflag:s0], $0x4000  }
0x2e: {  	[sflag:s0] =	ssyncset.done $0x0  }
0x2f: {  	s1 =	simm.s32 @!p2 $0x3;
	s8 =	simm.s32 $0x0;
	[sflag:s0] =	ssyncadd.s32 $0xFFFFC000  }
0x30: {  	s6 =	simm.s32 $0x0;
	s2 =	sand.u32 $0x60, s8;
	_ =	swait.ge @!p2 [sflag:s1], $0x4000  }
0x31: {  	s4 =	sand.u32 $0x1C00, s6;
	s0 =	simm.s32 $0x0;
	[sflag:s1] =	ssyncset.done @!p2 $0x0  }
0x32: {  	s9 =	sor.u32 s2, s4;
	v18 =	vor.u32 s0, v0;
	[sflag:s1] =	ssyncadd.s32 @!p2 $0xFFFFC000  }
0x33: {  	v18 =	vand.u32 v1, v18;
	v19 =	vld [tilespmem:s9+$0x0];
	_ =	sdelay $0x3  }
0x34: {  	s7 =	simm.s32 $0x10  }
0x35: {  	s5 =	simm.s32 $0x100;
	s25 =	sand.u32 $0x70, s7;
	[tilespmem:v18+s30+$0x0] =	vst.idx.msk $0xffff, v19  }
0x36: {  	s13 =	sor.u32 s25, s4;
	v20 =	vor.u32 s0, v2;
	v18 =	vor.u32 s5, v0;
	v19 =	vld [tilespmem:s9+$0x80]  }
0x37: {  	v21 =	vld [tilespmem:s13+$0x0];
	v18 =	vand.u32 v17, v18;
	_ =	sdelay $0x3  }
0x38: {  	[tilespmem:v20+s30+$0x0] =	vst.idx.msk $0xffff, v19  }
0x39: {  	[tilespmem:v18+s30+$0x0] =	vst.idx.msk $0xffff, v21;
	v19 =	vor.u32 s0, v3;
	v18 =	vld [tilespmem:s9+$0x100]  }
0x3a: {  	v20 =	vor.u32 s5, v2;
	v21 =	vld [tilespmem:s13+$0x80];
	_ =	sdelay $0x3  }
0x3b: {  	[tilespmem:v19+s30+$0x0] =	vst.idx.msk $0xffff, v18  }
0x3c: {  	[tilespmem:v20+s30+$0x0] =	vst.idx.msk $0xffff, v21;
	v19 =	vor.u32 s0, v4;
	v18 =	vld [tilespmem:s9+$0x180]  }
0x3d: {  	v20 =	vor.u32 s5, v3;
	v21 =	vld [tilespmem:s13+$0x100];
	_ =	sdelay $0x3  }
0x3e: {  	[tilespmem:v19+s30+$0x0] =	vst.idx.msk $0xffff, v18  }
0x3f: {  	[tilespmem:v20+s30+$0x0] =	vst.idx.msk $0xffff, v21;
	v19 =	vor.u32 s0, v5;
	v18 =	vld [tilespmem:s9+$0x200]  }
0x40: {  	v20 =	vor.u32 s5, v4;
	v21 =	vld [tilespmem:s13+$0x180]  }
0x41: {  	s18 =	simm.s32 $0x100;
	s20 =	simm.s32 $0x20  }
0x42: {  	s11 =	simm.s32 $0x200;
	s3 =	sand.u32 $0x1C00, s18;
	s1 =	sand.u32 $0x60, s20  }
0x43: {  	v22 =	vor.u32 s11, v0;
	s22 =	sor.u32 s1, s3  }
0x44: {  	s10 =	simm.s32 $0x30;
	v22 =	vand.u32 v1, v22;
	v24 =	vld [tilespmem:s22+$0x0];
	[tilespmem:v19+s30+$0x0] =	vst.idx.msk $0xffff, v18  }
0x45: {  	s31 =	sand.u32 $0x70, s10;
	[tilespmem:v20+s30+$0x0] =	vst.idx.msk $0xffff, v21;
	v19 =	vor.u32 s0, v6;
	v18 =	vld [tilespmem:s9+$0x280];
	s9 =	simm.s32 $0x300  }
0x46: {  	s16 =	sor.u32 s31, s3;
	v20 =	vor.u32 s5, v5;
	v21 =	vld [tilespmem:s13+$0x200];
	v23 =	vor.u32 s9, v0  }
0x47: {  	s14 =	sand.u32 $0x3, s6;
	v25 =	vld [tilespmem:s16+$0x0];
	v23 =	vand.u32 v17, v23  }
0x48: {  	s14 =	sshll.u32 s14, $0x5  }
0x49: {  	s14 =	sadd.s32 $0x0, s14;
	[tilespmem:v22+s30+$0x0] =	vst.idx.msk $0xffff, v24  }
0x4a: {  	s14 =	sor.u32 $0x300, s14;
	v24 =	vor.u32 s11, v2;
	v22 =	vld [tilespmem:s22+$0x80];
	[tilespmem:v19+s30+$0x0] =	vst.idx.msk $0xffff, v18  }
0x4b: {  	[tilespmem:v20+s30+$0x0] =	vst.idx.msk $0xffff, v21;
	v19 =	vor.u32 s0, v7;
	v18 =	vld [tilespmem:s14+$0x0]  }
0x4c: {  	v20 =	vor.u32 s5, v6;
	v21 =	vld [tilespmem:s13+$0x280];
	[tilespmem:v23+s30+$0x0] =	vst.idx.msk $0xffff, v25  }
0x4d: {  	s12 =	sand.u32 $0x7, s6;
	v23 =	vor.u32 s9, v2;
	v25 =	vld [tilespmem:s16+$0x80]  }
0x4e: {  	s13 =	sshll.u32 s12, $0x4  }
0x4f: {  	s8 =	sor.u32 s8, s6;
	[tilespmem:v24+s30+$0x0] =	vst.idx.msk $0xffff, v22;
	s13 =	sadd.s32 $0x0, s13  }
0x50: {  	s8 =	sor.u32 $0x380, s8;
	v24 =	vor.u32 s11, v3;
	v22 =	vld [tilespmem:s22+$0x100];
	s13 =	sadd.s32 $0x10, s13;
	[tilespmem:v19+s30+$0x0] =	vst.idx.msk $0xffff, v18  }
0x51: {  	s13 =	sor.u32 $0x300, s13;
	[tilespmem:v20+s30+$0x0] =	vst.idx.msk $0xffff, v21;
	v19 =	vor.u32 s0, v8;
	v18 =	vld [tilespmem:s8+$0x0]  }
0x52: {  	v20 =	vor.u32 s5, v7;
	v21 =	vld [tilespmem:s13+$0x0];
	[tilespmem:v23+s30+$0x0] =	vst.idx.msk $0xffff, v25  }
0x53: {  	v23 =	vor.u32 s9, v3;
	v25 =	vld [tilespmem:s16+$0x100];
	_ =	sdelay $0x1  }
0x54: {  	[tilespmem:v24+s30+$0x0] =	vst.idx.msk $0xffff, v22;
	s14 =	sor.u32 $0x2000, s4  }
0x55: {  	s6 =	sor.u32 s7, s6;
	v24 =	vor.u32 s11, v4;
	v22 =	vld [tilespmem:s22+$0x180];
	s15 =	sor.u32 s2, s14;
	[tilespmem:v19+s30+$0x0] =	vst.idx.msk $0xffff, v18  }
0x56: {  	s6 =	sor.u32 $0x380, s6;
	[tilespmem:v20+s30+$0x0] =	vst.idx.msk $0xffff, v21;
	v19 =	vor.u32 s0, v9;
	v18 =	vld [tilespmem:s15+$0x0]  }
0x57: {  	v20 =	vor.u32 s5, v8;
	v21 =	vld [tilespmem:s6+$0x0];
	[tilespmem:v23+s30+$0x0] =	vst.idx.msk $0xffff, v25  }
0x58: {  	v23 =	vor.u32 s9, v4;
	v25 =	vld [tilespmem:s16+$0x180];
	_ =	sdelay $0x1  }
0x59: {  	s17 =	sor.u32 $0x2080, s4;
	[tilespmem:v24+s30+$0x0] =	vst.idx.msk $0xffff, v22  }
0x5a: {  	s19 =	sor.u32 s2, s17;
	v24 =	vor.u32 s11, v5;
	v22 =	vld [tilespmem:s22+$0x200];
	[tilespmem:v19+s30+$0x0] =	vst.idx.msk $0xffff, v18  }
0x5b: {  	s8 =	sor.u32 s25, s14;
	[tilespmem:v20+s30+$0x0] =	vst.idx.msk $0xffff, v21;
	v19 =	vor.u32 s0, v10;
	v18 =	vld [tilespmem:s19+$0x0]  }
0x5c: {  	v20 =	vor.u32 s5, v9;
	v21 =	vld [tilespmem:s8+$0x0];
	[tilespmem:v23+s30+$0x0] =	vst.idx.msk $0xffff, v25  }
0x5d: {  	v23 =	vor.u32 s9, v5;
	v25 =	vld [tilespmem:s16+$0x200];
	_ =	sdelay $0x1  }
0x5e: {  	s21 =	simm.s32 $0x2;
	[tilespmem:v24+s30+$0x0] =	vst.idx.msk $0xffff, v22;
	s19 =	sor.u32 $0x2100, s4  }
0x5f: {  	s21 =	sand.u32 $0x7, s21;
	s12 =	simm.s32 $0x40;
	s23 =	sor.u32 s2, s19;
	[tilespmem:v19+s30+$0x0] =	vst.idx.msk $0xffff, v18  }
0x60: {  	s24 =	sand.u32 $0x60, s12;
	s14 =	simm.s32 $0x50;
	s6 =	sor.u32 s25, s17;
	[tilespmem:v20+s30+$0x0] =	vst.idx.msk $0xffff, v21;
	v19 =	vor.u32 s0, v11;
	v18 =	vld [tilespmem:s23+$0x0]  }
0x61: {  	s13 =	simm.s32 $0x400;
	s26 =	sand.u32 $0x70, s14;
	s15 =	simm.s32 $0x200;
	v20 =	vor.u32 s5, v10;
	v21 =	vld [tilespmem:s6+$0x0];
	[tilespmem:v23+s30+$0x0] =	vst.idx.msk $0xffff, v25  }
0x62: {  	v24 =	vor.u32 s11, v6;
	v22 =	vld [tilespmem:s22+$0x280];
	s7 =	smov.u32 s26;
	s17 =	sand.u32 $0x1C00, s15;
	[dreg:$0x5] =	wrdreg s24  }
0x63: {  	s22 =	sor.u32 s24, s17;
	s8 =	simm.s32 $0x500;
	v23 =	vor.u32 s9, v6;
	v25 =	vor.u32 s13, v0;
	v26 =	vld [tilespmem:s16+$0x280];
	s16 =	simm.s32 $0x1  }
0x64: {  	v27 =	vor.u32 s8, v0;
	s23 =	sor.u32 s26, s17;
	s26 =	sor.u32 $0x2180, s4;
	v25 =	vand.u32 v1, v25;
	v28 =	vld [tilespmem:s22+$0x0];
	s28 =	sand.u32 $0x3, s16  }
0x65: {  	s21 =	sshll.u32 s21, $0x4;
	v27 =	vand.u32 v17, v27;
	v29 =	vld [tilespmem:s23+$0x0];
	s6 =	sshll.u32 s28, $0x5;
	[tilespmem:v19+s30+$0x0] =	vst.idx.msk $0xffff, v18;
	s28 =	sor.u32 s2, s26  }
0x66: {  	s21 =	sadd.s32 $0x100, s21;
	s19 =	sor.u32 s25, s19;
	[tilespmem:v20+s30+$0x0] =	vst.idx.msk $0xffff, v21;
	v19 =	vor.u32 s0, v12;
	v18 =	vld [tilespmem:s28+$0x0];
	s6 =	sadd.s32 $0x100, s6  }
0x67: {  	s29 =	sadd.s32 $0x10, s21;
	[tilespmem:v24+s30+$0x0] =	vst.idx.msk $0xffff, v22;
	v21 =	vor.u32 s5, v11;
	v20 =	vld [tilespmem:s19+$0x0];
	s6 =	sor.u32 $0x300, s6  }
0x68: {  	s21 =	sor.u32 $0x300, s29;
	v24 =	vor.u32 s11, v7;
	v22 =	vld [tilespmem:s6+$0x0];
	[tilespmem:v23+s30+$0x0] =	vst.idx.msk $0xffff, v26  }
0x69: {  	v23 =	vor.u32 s9, v7;
	[tilespmem:v25+s30+$0x0] =	vst.idx.msk $0xffff, v28;
	v25 =	vld [tilespmem:s21+$0x0]  }
0x6a: {  	s24 =	sor.u32 $0x2200, s4;
	v28 =	vor.u32 s13, v2;
	[tilespmem:v27+s30+$0x0] =	vst.idx.msk $0xffff, v29;
	v26 =	vld [tilespmem:s22+$0x80]  }
0x6b: {  	s28 =	sor.u32 s2, s24;
	v27 =	vor.u32 s8, v2;
	v29 =	vld [tilespmem:s23+$0x80];
	[tilespmem:v19+s30+$0x0] =	vst.idx.msk $0xffff, v18  }
0x6c: {  	s20 =	sor.u32 s20, s18;
	s29 =	sor.u32 s25, s26;
	[tilespmem:v21+s30+$0x0] =	vst.idx.msk $0xffff, v20;
	v19 =	vor.u32 s0, v13;
	v18 =	vld [tilespmem:s28+$0x0]  }
0x6d: {  	s10 =	sor.u32 s10, s18;
	s19 =	sor.u32 $0x380, s20;
	v21 =	vor.u32 s5, v12;
	v20 =	vld [tilespmem:s29+$0x0];
	[tilespmem:v24+s30+$0x0] =	vst.idx.msk $0xffff, v22  }
0x6e: {  	s10 =	sor.u32 $0x380, s10;
	v24 =	vor.u32 s11, v8;
	v22 =	vld [tilespmem:s19+$0x0];
	[tilespmem:v23+s30+$0x0] =	vst.idx.msk $0xffff, v25  }
0x6f: {  	v23 =	vor.u32 s9, v8;
	[tilespmem:v28+s30+$0x0] =	vst.idx.msk $0xffff, v26;
	v25 =	vld [tilespmem:s10+$0x0]  }
0x70: {  	s20 =	sor.u32 $0x2280, s4;
	v28 =	vor.u32 s13, v3;
	[tilespmem:v27+s30+$0x0] =	vst.idx.msk $0xffff, v29;
	v26 =	vld [tilespmem:s22+$0x100]  }
0x71: {  	v31 =	vor.u32 s8, v3;
	s21 =	sor.u32 s2, s20;
	v32 =	vld [tilespmem:s23+$0x100];
	[tilespmem:v19+s30+$0x0] =	vst.idx.msk $0xffff, v18  }
0x72: {  	v34 =	vor.u32 s0, v14;
	s6 =	sor.u32 s25, s24;
	s24 =	sor.u32 $0x2000, s3;
	[tilespmem:v21+s30+$0x0] =	vst.idx.msk $0xffff, v20;
	v33 =	vld [tilespmem:s21+$0x0]  }
0x73: {  	v35 =	vor.u32 s5, v13;
	v40 =	vor.u32 s11, v9;
	s26 =	sor.u32 s1, s24;
	[tilespmem:v24+s30+$0x0] =	vst.idx.msk $0xffff, v22;
	v24 =	vld [tilespmem:s6+$0x0]  }
0x74: {  	v49 =	vor.u32 s0, v15;
	v42 =	vor.u32 s9, v9;
	v30 =	vor.u32 s9, v10;
	s18 =	sor.u32 s31, s24;
	v38 =	vld [tilespmem:s26+$0x0];
	[tilespmem:v23+s30+$0x0] =	vst.idx.msk $0xffff, v25  }
0x75: {  	v45 =	vor.u32 s13, v4;
	v46 =	vor.u32 s8, v4;
	[tilespmem:v28+s30+$0x0] =	vst.idx.msk $0xffff, v26;
	v26 =	vld [tilespmem:s18+$0x0]  }
0x76: {  	v39 =	vor.u32 s8, v5;
	v37 =	vor.u32 s8, v6;
	v36 =	vor.u32 s8, v7;
	s28 =	simm.s32 $0x4;
	s29 =	sor.u32 $0x2300, s4;
	[tilespmem:v31+s30+$0x0] =	vst.idx.msk $0xffff, v32;
	v44 =	vld [tilespmem:s22+$0x180]  }
0x77: {  	s19 =	sor.u32 s2, s29;
	v21 =	vor.u32 s5, v14;
	v19 =	vor.u32 s5, v15;
	v18 =	vor.u32 s5, v16;
	s5 =	sand.u32 $0x7, s28;
	v47 =	vld [tilespmem:s23+$0x180];
	[tilespmem:v34+s30+$0x0] =	vst.idx.msk $0xffff, v33  }
0x78: {  	s20 =	sor.u32 s25, s20;
	v29 =	vor.u32 s9, v11;
	v27 =	vor.u32 s9, v12;
	v20 =	vor.u32 s9, v16;
	s5 =	sshll.u32 s5, $0x4;
	s21 =	sor.u32 $0x2080, s3;
	v48 =	vld [tilespmem:s19+$0x0];
	[tilespmem:v35+s30+$0x0] =	vst.idx.msk $0xffff, v24  }
0x79: {  	v22 =	vor.u32 s9, v15;
	s5 =	sadd.s32 $0x200, s5;
	s24 =	sor.u32 s1, s21;
	v25 =	vor.u32 s9, v13;
	v23 =	vor.u32 s9, v14;
	[tilespmem:v40+s30+$0x0] =	vst.idx.msk $0xffff, v38;
	v41 =	vld [tilespmem:s20+$0x0]  }
0x7a: {  	s28 =	sor.u32 s31, s21;
	s5 =	sadd.s32 $0x10, s5;
	s26 =	sor.u32 s14, s15;
	v32 =	vor.u32 s8, v11;
	v31 =	vor.u32 s8, v12;
	v28 =	vor.u32 s8, v13;
	v43 =	vld [tilespmem:s24+$0x0];
	[tilespmem:v42+s30+$0x0] =	vst.idx.msk $0xffff, v26  }
0x7b: {  	s10 =	simm.s32 $0x4;
	s5 =	sor.u32 $0x300, s5;
	s9 =	sor.u32 $0x380, s26;
	v34 =	vor.u32 s8, v8;
	v33 =	vor.u32 s8, v9;
	v35 =	vor.u32 s8, v14;
	[tilespmem:v45+s30+$0x0] =	vst.idx.msk $0xffff, v44;
	v42 =	vld [tilespmem:s28+$0x0]  }
0x7c: {  	v24 =	vor.u32 s8, v16;
	v38 =	vor.u32 s8, v10;
	s20 =	sor.u32 s25, s29;
	s29 =	sor.u32 $0x2380, s4;
	s4 =	simm.s32 $0x6;
	v26 =	vor.u32 s8, v15;
	[tilespmem:v46+s30+$0x0] =	vst.idx.msk $0xffff, v47;
	v45 =	vld [tilespmem:s22+$0x200]  }
0x7d: {  	v44 =	vor.u32 s11, v10;
	v47 =	vor.u32 s13, v5;
	s18 =	sor.u32 s2, s29;
	s25 =	sor.u32 s25, s29;
	s2 =	simm.s32 $0x200;
	v46 =	vld [tilespmem:s23+$0x200];
	[tilespmem:v49+s30+$0x0] =	vst.idx.msk $0xffff, v48  }
.LBB2_4:
0x7e: {  	_ =	sdelay $0x2  }
0x7f: {  	s6 =	sand.u32 $0x7, s4;
	s19 =	sor.u32 $0x2100, s3;
	v48 =	vld [tilespmem:s18+$0x0];
	v49 =	vor.u32 s0, v16;
	[tilespmem:v21+s30+$0x0] =	vst.idx.msk $0xffff, v41  }
0x80: {  	s0 =	smov.u32 s11;
	s8 =	sadd.s32 $0x200, s8;
	s21 =	sor.u32 s1, s19;
	[tilespmem:v44+s30+$0x0] =	vst.idx.msk $0xffff, v43;
	v59 =	vld [tilespmem:s20+$0x0]  }
0x81: {  	s14 =	sadd.s32 $0x20, s14;
	s15 =	sadd.s32 $0x100, s15;
	s24 =	sor.u32 s31, s19;
	v44 =	vor.u32 s0, v11;
	[tilespmem:v30+s30+$0x0] =	vst.idx.msk $0xffff, v42;
	v43 =	vld [tilespmem:s21+$0x0]  }
0x82: {  	s16 =	sadd.s32 $0x1, s16;
	s29 =	sshll.u32 s6, $0x4;
	s20 =	sadd.s32 $0xFFFFFFF0, s14;
	[tilespmem:v47+s30+$0x0] =	vst.idx.msk $0xffff, v45;
	v61 =	vld [tilespmem:s24+$0x0]  }
0x83: {  	v52 =	vor.u32 s13, v6;
	s6 =	sadd.s32 $0xFFFFFF00, s8;
	s18 =	sand.u32 $0x1C00, s15;
	s21 =	sand.u32 $0x60, s20;
	[tilespmem:v39+s30+$0x0] =	vst.idx.msk $0xffff, v46;
	v51 =	vld [tilespmem:s22+$0x280]  }
0x84: {  	s28 =	sor.u32 $0x2180, s3;
	s19 =	sand.u32 $0x70, s14;
	v62 =	vor.u32 s6, v0;
	s22 =	sor.u32 s21, s18;
	v53 =	vld [tilespmem:s23+$0x280];
	[tilespmem:v49+s30+$0x0] =	vst.idx.msk $0xffff, v48  }
0x85: {  	v60 =	vor.u32 s8, v0;
	s26 =	sand.u32 $0x3, s16;
	s11 =	sadd.s32 s15, s29;
	v63 =	vand.u32 v1, v62;
	s23 =	sor.u32 s19, s18;
	v48 =	vld [tilespmem:s22+$0x0];
	[tilespmem:v19+s30+$0x0] =	vst.idx.msk $0xffff, v59  }
0x86: {  	s26 =	sshll.u32 s26, $0x5;
	s29 =	sor.u32 s1, s28;
	v47 =	vand.u32 v17, v60;
	s24 =	simm.s32 $0x8000;
	v56 =	vld [tilespmem:s23+$0x0];
	[tilespmem:v44+s30+$0x0] =	vst.idx.msk $0xffff, v43  }
0x87: {  	v58 =	vor.u32 s0, v12;
	s26 =	sadd.s32 s26, s2;
	[tilespmem:v29+s24+$0x0] =	vst.idx.msk $0xffff, v61;
	v57 =	vld [tilespmem:s29+$0x0]  }
0x88: {  	s11 =	sadd.s32 $0x10, s11;
	s26 =	sor.u32 $0x300, s26;
	[tilespmem:v52+s24+$0x0] =	vst.idx.msk $0xffff, v51;
	v62 =	vld [tilespmem:s25+$0x0]  }
0x89: {  	v46 =	vor.u32 s8, v6;
	v59 =	vor.u32 s13, v7;
	s29 =	sor.u32 $0x300, s11;
	[tilespmem:v37+s24+$0x0] =	vst.idx.msk $0xffff, v53;
	s11 =	smov.u32 s13;
	s13 =	smov.u32 s6;
	v52 =	vld [tilespmem:s26+$0x0]  }
0x8a: {  	v37 =	vmov v46;
	s6 =	smov.u32 s1;
	s26 =	sor.u32 s31, s28;
	[tilespmem:v63+s24+$0x0] =	vst.idx.msk $0xffff, v48;
	v46 =	vld [tilespmem:s5+$0x0];
	s28 =	rddreg [dreg:$0x5]  }
0x8b: {  	s25 =	smov.u32 s21;
	v63 =	vor.u32 s13, v2;
	s1 =	smov.u32 s28;
	v48 =	vld [tilespmem:s22+$0x80];
	s28 =	sor.u32 $0x2200, s3;
	[tilespmem:v47+s24+$0x0] =	vst.idx.msk $0xffff, v56  }
0x8c: {  	v50 =	vor.u32 s8, v2;
	[dreg:$0x5] =	wrdreg s25;
	s25 =	smov.u32 s31;
	s21 =	sor.u32 s6, s28;
	v47 =	vld [tilespmem:s23+$0x80];
	[tilespmem:v58+s24+$0x0] =	vst.idx.msk $0xffff, v57  }
0x8d: {  	v60 =	vor.u32 s8, v11;
	s31 =	smov.u32 s7;
	s7 =	smov.u32 s19;
	s19 =	sor.u32 s12, s2;
	v56 =	vor.u32 s0, v13;
	[tilespmem:v18+s24+$0x0] =	vst.idx.msk $0xffff, v62;
	v53 =	vld [tilespmem:s21+$0x0]  }
0x8e: {  	s30 =	sor.u32 s14, s15;
	v29 =	vmov v32;
	v32 =	vmov v60;
	v61 =	vor.u32 s8, v16;
	[tilespmem:v59+s24+$0x0] =	vst.idx.msk $0xffff, v52;
	s21 =	sor.u32 $0x380, s19;
	v60 =	vld [tilespmem:s26+$0x0]  }
0x8f: {  	s30 =	sor.u32 $0x380, s30;
	v18 =	vmovc v20;
	v20 =	vmov v24;
	v24 =	vmov v61;
	v62 =	vor.u32 s11, v8;
	[tilespmem:v36+s24+$0x0] =	vst.idx.msk $0xffff, v46;
	v61 =	vld [tilespmem:s21+$0x0]  }
0x90: {  	[tilespmem:v63+s24+$0x0] =	vst.idx.msk $0xffff, v48;
	v46 =	vld [tilespmem:s9+$0x0];
	s9 =	smov.u32 s30;
	s30 =	simm.s32 $0x8000  }
0x91: {  	s12 =	smov.u32 s20;
	s20 =	sor.u32 $0x2280, s3;
	v63 =	vor.u32 s13, v3;
	v48 =	vld [tilespmem:s22+$0x100];
	[tilespmem:v50+s30+$0x0] =	vst.idx.msk $0xffff, v47  }
0x92: {  	v41 =	vor.u32 s8, v3;
	s21 =	sor.u32 s6, s20;
	v47 =	vld [tilespmem:s23+$0x100];
	[tilespmem:v56+s30+$0x0] =	vst.idx.msk $0xffff, v53  }
0x93: {  	s28 =	sor.u32 s25, s28;
	v57 =	vor.u32 s0, v14;
	s24 =	sor.u32 $0x2000, s17;
	[tilespmem:v27+s30+$0x0] =	vst.idx.msk $0xffff, v60;
	v56 =	vld [tilespmem:s21+$0x0]  }
0x94: {  	s26 =	sor.u32 s1, s24;
	[tilespmem:v62+s30+$0x0] =	vst.idx.msk $0xffff, v61;
	v58 =	vld [tilespmem:s28+$0x0]  }
0x95: {  	v60 =	vor.u32 s11, v9;
	s21 =	sor.u32 s31, s24;
	[tilespmem:v34+s30+$0x0] =	vst.idx.msk $0xffff, v46;
	v59 =	vld [tilespmem:s26+$0x0]  }
0x96: {  	[tilespmem:v63+s30+$0x0] =	vst.idx.msk $0xffff, v48;
	v46 =	vld [tilespmem:s21+$0x0]  }
0x97: {  	v61 =	vor.u32 s13, v4;
	s28 =	sor.u32 $0x2300, s3;
	v48 =	vld [tilespmem:s22+$0x180];
	[tilespmem:v41+s30+$0x0] =	vst.idx.msk $0xffff, v47  }
0x98: {  	s10 =	sadd.s32 $0x2, s10;
	v40 =	vor.u32 s8, v4;
	s5 =	smov.u32 s29;
	s29 =	sor.u32 s6, s28;
	v62 =	vld [tilespmem:s23+$0x180];
	[tilespmem:v57+s30+$0x0] =	vst.idx.msk $0xffff, v56  }
0x99: {  	p3 =	slt.u32 s10, $0x3E;
	s19 =	sor.u32 s25, s20;
	s24 =	sor.u32 $0x2080, s17;
	v63 =	vor.u32 s0, v15;
	[tilespmem:v25+s30+$0x0] =	vst.idx.msk $0xffff, v58;
	v50 =	vld [tilespmem:s29+$0x0]  }
.Ltmp5:
0x9a: {  	v54 =	vor.u32 s8, v7;
	v55 =	vor.u32 s8, v8;
	v43 =	vor.u32 s8, v12;
	s20 =	sor.u32 s25, s28;
	s28 =	sor.u32 s1, s24;
	[tilespmem:v60+s30+$0x0] =	vst.idx.msk $0xffff, v59;
	v41 =	vld [tilespmem:s19+$0x0];
	(pc) =	sbr.rel @p3 .LBB2_4-.Ltmp5, $4  }
0x9b: {  	v21 =	vmovc v23;
	v23 =	vmovc v35;
	v42 =	vor.u32 s8, v9;
	v27 =	vmov v31;
	v31 =	vmov v43;
	s26 =	sor.u32 s31, s24;
	[tilespmem:v33+s30+$0x0] =	vst.idx.msk $0xffff, v46;
	v43 =	vld [tilespmem:s28+$0x0]  }
0x9c: {  	s4 =	sadd.s32 $0x2, s4;
	v35 =	vor.u32 s8, v14;
	v30 =	vmovc v38;
	v38 =	vor.u32 s8, v10;
	v39 =	vor.u32 s8, v5;
	v33 =	vmovc v42;
	[tilespmem:v61+s30+$0x0] =	vst.idx.msk $0xffff, v48;
	v42 =	vld [tilespmem:s26+$0x0]  }
0x9d: {  	v19 =	vmovc v22;
	v22 =	vmovc v26;
	v26 =	vor.u32 s8, v15;
	v44 =	vor.u32 s8, v13;
	s2 =	smov.u32 s15;
	v36 =	vmov v54;
	s29 =	sor.u32 $0x2380, s3;
	s3 =	smov.u32 s17;
	v45 =	vld [tilespmem:s22+$0x200];
	[tilespmem:v40+s30+$0x0] =	vst.idx.msk $0xffff, v62  }
0x9e: {  	v34 =	vmovc v55;
	v47 =	vor.u32 s13, v5;
	v25 =	vmovc v28;
	v28 =	vmov v44;
	v44 =	vor.u32 s11, v10;
	s17 =	smov.u32 s18;
	s18 =	sor.u32 s6, s29;
	s25 =	sor.u32 s25, s29;
	v46 =	vld [tilespmem:s23+$0x200];
	[tilespmem:v63+s30+$0x0] =	vst.idx.msk $0xffff, v50  }
0x9f: {  	_ =	sdelay $0x3  }
0xa0: {  	[tilespmem:v47+s30+$0x0] =	vst.idx.msk $0xffff, v45  }
0xa1: {  	v54 =	vor.u32 s13, v6;
	v40 =	vld [tilespmem:s22+$0x280];
	[tilespmem:v39+s30+$0x0] =	vst.idx.msk $0xffff, v46  }
0xa2: {  	s4 =	sadd.s32 $0x1, s16;
	v39 =	vld [tilespmem:s23+$0x280]  }
0xa3: {  	s4 =	sand.u32 $0x3, s4  }
0xa4: {  	s4 =	sshll.u32 s4, $0x5  }
0xa5: {  	s4 =	sadd.s32 s4, s2  }
0xa6: {  	s4 =	sor.u32 $0x300, s4;
	[tilespmem:v54+s30+$0x0] =	vst.idx.msk $0xffff, v40  }
0xa7: {  	v55 =	vor.u32 s13, v7;
	v40 =	vld [tilespmem:s4+$0x0];
	[tilespmem:v37+s30+$0x0] =	vst.idx.msk $0xffff, v39  }
0xa8: {  	v37 =	vld [tilespmem:s5+$0x0];
	_ =	sdelay $0x2  }
0xa9: {  	s5 =	sor.u32 s12, s2  }
0xaa: {  	s2 =	sor.u32 $0x380, s5;
	[tilespmem:v55+s30+$0x0] =	vst.idx.msk $0xffff, v40  }
0xab: {  	v57 =	vor.u32 s13, v8;
	v56 =	vld [tilespmem:s2+$0x0];
	[tilespmem:v36+s30+$0x0] =	vst.idx.msk $0xffff, v37  }
0xac: {  	v36 =	vld [tilespmem:s9+$0x0];
	_ =	sdelay $0x3  }
0xad: {  	s6 =	sor.u32 $0x2000, s17;
	[tilespmem:v57+s30+$0x0] =	vst.idx.msk $0xffff, v56  }
0xae: {  	s2 =	sor.u32 s7, s6;
	s12 =	rddreg [dreg:$0x5];
	[tilespmem:v34+s30+$0x0] =	vst.idx.msk $0xffff, v36  }
0xaf: {  	s8 =	sor.u32 s12, s6;
	v34 =	vld [tilespmem:s2+$0x0]  }
0xb0: {  	v59 =	vor.u32 s13, v9;
	v58 =	vld [tilespmem:s8+$0x0];
	_ =	sdelay $0x2  }
0xb1: {  	s9 =	sor.u32 $0x2080, s17  }
0xb2: {  	s2 =	sor.u32 s7, s9;
	[tilespmem:v33+s30+$0x0] =	vst.idx.msk $0xffff, v34  }
0xb3: {  	s14 =	sor.u32 $0x2100, s3;
	s10 =	sor.u32 s12, s9;
	[tilespmem:v59+s30+$0x0] =	vst.idx.msk $0xffff, v58;
	v33 =	vld [tilespmem:s2+$0x0]  }
0xb4: {  	v61 =	vor.u32 s13, v10;
	s15 =	sor.u32 s1, s14;
	[tilespmem:v44+s30+$0x0] =	vst.idx.msk $0xffff, v43;
	v60 =	vld [tilespmem:s10+$0x0]  }
0xb5: {  	v63 =	vor.u32 s11, v11;
	v62 =	vld [tilespmem:s15+$0x0];
	_ =	sdelay $0x1  }
0xb6: {  	s16 =	sor.u32 $0x2100, s17;
	[tilespmem:v30+s30+$0x0] =	vst.idx.msk $0xffff, v42;
	s2 =	sor.u32 s31, s14  }
0xb7: {  	s4 =	sor.u32 s7, s16;
	v30 =	vld [tilespmem:s2+$0x0];
	[tilespmem:v38+s30+$0x0] =	vst.idx.msk $0xffff, v33  }
0xb8: {  	s21 =	sor.u32 $0x2180, s3;
	s19 =	sor.u32 s12, s16;
	[tilespmem:v61+s30+$0x0] =	vst.idx.msk $0xffff, v60;
	v33 =	vld [tilespmem:s4+$0x0]  }
0xb9: {  	s22 =	sor.u32 s1, s21;
	v42 =	vor.u32 s13, v11;
	[tilespmem:v63+s30+$0x0] =	vst.idx.msk $0xffff, v62;
	v36 =	vld [tilespmem:s19+$0x0]  }
0xba: {  	v43 =	vor.u32 s11, v12;
	v34 =	vld [tilespmem:s22+$0x0];
	_ =	sdelay $0x1  }
0xbb: {  	s23 =	sor.u32 $0x2180, s17;
	s2 =	sor.u32 s31, s21;
	[tilespmem:v29+s30+$0x0] =	vst.idx.msk $0xffff, v30  }
0xbc: {  	s26 =	sor.u32 s7, s23;
	v29 =	vld [tilespmem:s2+$0x0];
	[tilespmem:v32+s30+$0x0] =	vst.idx.msk $0xffff, v33  }
0xbd: {  	s28 =	sor.u32 $0x2200, s3;
	s24 =	sor.u32 s12, s23;
	[tilespmem:v42+s30+$0x0] =	vst.idx.msk $0xffff, v36;
	v32 =	vld [tilespmem:s26+$0x0]  }
0xbe: {  	s29 =	sor.u32 s1, s28;
	v45 =	vor.u32 s13, v12;
	[tilespmem:v43+s30+$0x0] =	vst.idx.msk $0xffff, v34;
	v44 =	vld [tilespmem:s24+$0x0]  }
0xbf: {  	v47 =	vor.u32 s11, v13;
	v46 =	vld [tilespmem:s29+$0x0];
	_ =	sdelay $0x1  }
0xc0: {  	s5 =	sor.u32 $0x2200, s17;
	s2 =	sor.u32 s31, s28;
	[tilespmem:v27+s30+$0x0] =	vst.idx.msk $0xffff, v29  }
0xc1: {  	s4 =	sor.u32 s7, s5;
	v27 =	vld [tilespmem:s2+$0x0];
	[tilespmem:v31+s30+$0x0] =	vst.idx.msk $0xffff, v32  }
0xc2: {  	s6 =	sor.u32 s12, s5;
	s8 =	sor.u32 $0x2280, s3;
	[tilespmem:v45+s30+$0x0] =	vst.idx.msk $0xffff, v44;
	v31 =	vld [tilespmem:s4+$0x0]  }
0xc3: {  	v49 =	vor.u32 s13, v13;
	s9 =	sor.u32 s1, s8;
	[tilespmem:v47+s30+$0x0] =	vst.idx.msk $0xffff, v46;
	v48 =	vld [tilespmem:s6+$0x0]  }
0xc4: {  	v51 =	vor.u32 s11, v14;
	v50 =	vld [tilespmem:s9+$0x0]  }
0xc5: {  	[tilespmem:v21+s30+$0x0] =	vst.idx.msk $0xffff, v41  }
0xc6: {  	v21 =	vld [tilespmem:s20+$0x0];
	s10 =	sor.u32 $0x2280, s17;
	s2 =	sor.u32 s31, s8;
	[tilespmem:v25+s30+$0x0] =	vst.idx.msk $0xffff, v27  }
0xc7: {  	s15 =	sor.u32 s7, s10;
	v25 =	vld [tilespmem:s2+$0x0];
	[tilespmem:v28+s30+$0x0] =	vst.idx.msk $0xffff, v31  }
0xc8: {  	s16 =	sor.u32 $0x2300, s3;
	s14 =	sor.u32 s12, s10;
	[tilespmem:v49+s30+$0x0] =	vst.idx.msk $0xffff, v48;
	v28 =	vld [tilespmem:s15+$0x0]  }
0xc9: {  	v53 =	vor.u32 s13, v14;
	s19 =	sor.u32 s1, s16;
	[tilespmem:v51+s30+$0x0] =	vst.idx.msk $0xffff, v50;
	v52 =	vld [tilespmem:s14+$0x0]  }
0xca: {  	v55 =	vor.u32 s11, v15;
	v54 =	vld [tilespmem:s19+$0x0]  }
0xcb: {  	[tilespmem:v19+s30+$0x0] =	vst.idx.msk $0xffff, v21;
	v58 =	vld [tilespmem:s18+$0x0];
	v59 =	vor.u32 s0, v16  }
0xcc: {  	s20 =	sor.u32 $0x2300, s17;
	v19 =	vld [tilespmem:s25+$0x0];
	s2 =	sor.u32 s31, s16;
	[tilespmem:v23+s30+$0x0] =	vst.idx.msk $0xffff, v25  }
0xcd: {  	s22 =	sor.u32 s7, s20;
	v23 =	vld [tilespmem:s2+$0x0];
	[tilespmem:v35+s30+$0x0] =	vst.idx.msk $0xffff, v28  }
0xce: {  	s23 =	sor.u32 $0x2380, s3;
	s21 =	sor.u32 s12, s20;
	[tilespmem:v53+s30+$0x0] =	vst.idx.msk $0xffff, v52;
	v28 =	vld [tilespmem:s22+$0x0]  }
0xcf: {  	v57 =	vor.u32 s13, v15;
	s24 =	sor.u32 s1, s23;
	[tilespmem:v55+s30+$0x0] =	vst.idx.msk $0xffff, v54;
	v56 =	vld [tilespmem:s21+$0x0]  }
0xd0: {  	[tilespmem:v59+s30+$0x0] =	vst.idx.msk $0xffff, v58;
	v61 =	vor.u32 s11, v16;
	v60 =	vld [tilespmem:s24+$0x0]  }
0xd1: {  	[tilespmem:v18+s30+$0x0] =	vst.idx.msk $0xffff, v19  }
0xd2: {  	s0 =	sor.u32 s31, s23;
	s25 =	sor.u32 $0x2380, s17;
	[tilespmem:v22+s30+$0x0] =	vst.idx.msk $0xffff, v23  }
0xd3: {  	s1 =	sor.u32 s7, s25;
	v22 =	vld [tilespmem:s0+$0x0];
	[tilespmem:v26+s30+$0x0] =	vst.idx.msk $0xffff, v28  }
0xd4: {  	s26 =	sor.u32 s12, s25;
	[tilespmem:v57+s30+$0x0] =	vst.idx.msk $0xffff, v56;
	v26 =	vld [tilespmem:s1+$0x0]  }
0xd5: {  	v63 =	vor.u32 s13, v16;
	v62 =	vld [tilespmem:s26+$0x0];
	s4 =	rddreg [dreg:$0x18];
	[tilespmem:v61+s30+$0x0] =	vst.idx.msk $0xffff, v60  }
0xd6: {  	s0 =	rddreg [dreg:$0xe]  }
0xd7: {  	p3 =	sgt.u32 s4, $0x38F;
	s1 =	rddreg [dreg:$0x16]  }
0xd8: {  	s29 =	rddreg [dreg:$0x2];
	[tilespmem:v20+s30+$0x0] =	vst.idx.msk $0xffff, v22;
	s28 =	sshll.u32 s4, $0xB;
	s0 =	sadd.s32 @!p3 s0, s1  }
0xd9: {  	s1 =	rddreg [dreg:$0x0];
	s2 =	simm.s32 @!p3 $0x7A1400;
	s0 =	sshll.u32 @!p3 s0, $0xA;
	[tilespmem:v24+s30+$0x0] =	vst.idx.msk $0xffff, v26  }
0xda: {  	s3 =	simm.s32 @!p3 $0x0;
	s0 =	sadd.s32 @!p3 s1, s0;
	s1 =	simm.s32 @!p3 $0x2000;
	[tilespmem:v63+s30+$0x0] =	vst.idx.msk $0xffff, v62  }
0xdb: {  	[tilespmem:s3], [sflag:$0x1] =	stream.strided.gather @!p3 [hbm4b:s0+s1], $0x4000, s2, s1, $0x38;
	[tilespmem:$0x10400] =	vst v63  }
0xdc: {  	s31 =	simm.s32 $0x0;
	s0 =	sadd.s32 s29, s28;
	s1 =	rddreg [dreg:$0x15]  }
0xdd: {  	[hbm4b:s0+s31] =	stream.linear.scatter [tilespmem:s30], [sflag:$0x3], $0x4000, $0x38;
	[tilespmem:$0x10400] =	vst v63  }
.LBB2_6:
0xde: {  	s0 =	sor.u32 $0x20, s4  }
0xdf: {  	p3 =	sgt.u32 s0, $0x3CF  }
.Ltmp6:
0xe0: {  	_ = 	snop;
	(pc) =	sbr.rel @p3 .LBB2_10-.Ltmp6, $1  }
0xe1: {  	_ =	sdelay $0x3  }
0xe2: {  	[dreg:$0x17] =	wrdreg s0;
	s26 =	simm.s32 $0x2  }
0xe3: {  	_ =	swait.ge [sflag:s26], $0x4000  }
0xe4: {  	s1 =	simm.s32 @!p2 $0x4;
	[sflag:s26] =	ssyncset.done $0x0  }
0xe5: {  	s29 =	simm.s32 $0x0;
	s5 =	simm.s32 $0x10;
	[sflag:s26] =	ssyncadd.s32 $0xFFFFC000  }
0xe6: {  	s12 =	simm.s32 $0x100;
	s9 =	sand.u32 $0x1C00, s29;
	_ =	swait.ge @!p2 [sflag:s1], $0x4000  }
0xe7: {  	s7 =	sand.u32 $0x70, s5;
	s3 =	sor.u32 $0x4000, s9;
	[sflag:s1] =	ssyncset.done @!p2 $0x0  }
0xe8: {  	v18 =	vor.u32 s12, v0;
	s4 =	sor.u32 s7, s3;
	[sflag:s1] =	ssyncadd.s32 @!p2 $0xFFFFC000  }
0xe9: {  	v18 =	vand.u32 v17, v18;
	v19 =	vld [tilespmem:s4+$0x0];
	_ =	sdelay $0x3  }
0xea: {  	s30 =	simm.s32 $0xC000  }
0xeb: {  	[tilespmem:v18+s30+$0x0] =	vst.idx.msk $0xffff, v19  }
0xec: {  	v19 =	vor.u32 s12, v2;
	v18 =	vld [tilespmem:s4+$0x80];
	_ =	sdelay $0x3  }
0xed: {  	s31 =	simm.s32 $0x0  }
0xee: {  	s25 =	simm.s32 $0x0;
	s2 =	sand.u32 $0x60, s31;
	[tilespmem:v19+s30+$0x0] =	vst.idx.msk $0xffff, v18  }
0xef: {  	v20 =	vor.u32 s12, v3;
	s10 =	sor.u32 s2, s3;
	v18 =	vor.u32 s25, v0;
	v19 =	vld [tilespmem:s4+$0x100]  }
0xf0: {  	v21 =	vld [tilespmem:s10+$0x0];
	v18 =	vand.u32 v1, v18;
	_ =	sdelay $0x3  }
0xf1: {  	[tilespmem:v20+s30+$0x0] =	vst.idx.msk $0xffff, v19  }
0xf2: {  	[tilespmem:v18+s30+$0x0] =	vst.idx.msk $0xffff, v21;
	v19 =	vor.u32 s12, v4;
	v18 =	vld [tilespmem:s4+$0x180]  }
0xf3: {  	v20 =	vor.u32 s25, v2;
	v21 =	vld [tilespmem:s10+$0x80];
	_ =	sdelay $0x3  }
0xf4: {  	[tilespmem:v19+s30+$0x0] =	vst.idx.msk $0xffff, v18  }
0xf5: {  	[tilespmem:v20+s30+$0x0] =	vst.idx.msk $0xffff, v21;
	v19 =	vor.u32 s12, v5;
	v18 =	vld [tilespmem:s4+$0x200]  }
0xf6: {  	v20 =	vor.u32 s25, v3;
	v21 =	vld [tilespmem:s10+$0x100];
	_ =	sdelay $0x2  }
0xf7: {  	s11 =	simm.s32 $0x100  }
0xf8: {  	s14 =	simm.s32 $0x30;
	s15 =	sand.u32 $0x1C00, s11;
	[tilespmem:v19+s30+$0x0] =	vst.idx.msk $0xffff, v18  }
0xf9: {  	s24 =	simm.s32 $0x300;
	s8 =	sand.u32 $0x70, s14;
	s6 =	sor.u32 $0x4000, s15;
	[tilespmem:v20+s30+$0x0] =	vst.idx.msk $0xffff, v21;
	v19 =	vor.u32 s12, v6;
	v18 =	vld [tilespmem:s4+$0x280]  }
0xfa: {  	v22 =	vor.u32 s24, v0;
	s17 =	sand.u32 $0x7, s29;
	s3 =	sor.u32 s8, s6;
	v20 =	vor.u32 s25, v4;
	v21 =	vld [tilespmem:s10+$0x180]  }
0xfb: {  	v22 =	vand.u32 v17, v22;
	v23 =	vld [tilespmem:s3+$0x0];
	s4 =	sshll.u32 s17, $0x4  }
0xfc: {  	s4 =	sadd.s32 $0x0, s4  }
0xfd: {  	s4 =	sadd.s32 $0x10, s4  }
0xfe: {  	s4 =	sor.u32 $0x300, s4;
	[tilespmem:v19+s30+$0x0] =	vst.idx.msk $0xffff, v18  }
0xff: {  	[tilespmem:v20+s30+$0x0] =	vst.idx.msk $0xffff, v21;
	v19 =	vor.u32 s12, v7;
	v18 =	vld [tilespmem:s4+$0x4000]  }
0x100: {  	[tilespmem:v22+s30+$0x0] =	vst.idx.msk $0xffff, v23;
	v20 =	vor.u32 s25, v5;
	v21 =	vld [tilespmem:s10+$0x200]  }
0x101: {  	s13 =	simm.s32 $0x20;
	v23 =	vor.u32 s24, v2;
	v22 =	vld [tilespmem:s3+$0x80]  }
0x102: {  	s23 =	sand.u32 $0x60, s13;
	s4 =	simm.s32 $0x200  }
0x103: {  	s5 =	sor.u32 s5, s29;
	s6 =	sor.u32 s23, s6;
	v24 =	vor.u32 s4, v0  }
0x104: {  	s5 =	sor.u32 $0x380, s5;
	v25 =	vld [tilespmem:s6+$0x0];
	v24 =	vand.u32 v1, v24;
	[tilespmem:v19+s30+$0x0] =	vst.idx.msk $0xffff, v18  }
0x105: {  	[tilespmem:v20+s30+$0x0] =	vst.idx.msk $0xffff, v21;
	v19 =	vor.u32 s12, v8;
	v18 =	vld [tilespmem:s5+$0x4000]  }
0x106: {  	[tilespmem:v23+s30+$0x0] =	vst.idx.msk $0xffff, v22;
	v20 =	vor.u32 s25, v6;
	v21 =	vld [tilespmem:s10+$0x280]  }
0x107: {  	v23 =	vor.u32 s24, v3;
	v22 =	vld [tilespmem:s3+$0x100]  }
0x108: {  	s18 =	sand.u32 $0x3, s29  }
0x109: {  	s16 =	sor.u32 $0x6000, s9;
	s5 =	sshll.u32 s18, $0x5;
	[tilespmem:v24+s30+$0x0] =	vst.idx.msk $0xffff, v25  }
0x10a: {  	s19 =	sor.u32 s7, s16;
	s5 =	sadd.s32 $0x0, s5;
	v24 =	vor.u32 s4, v2;
	v25 =	vld [tilespmem:s6+$0x80];
	[tilespmem:v19+s30+$0x0] =	vst.idx.msk $0xffff, v18  }
0x10b: {  	s5 =	sor.u32 $0x300, s5;
	[tilespmem:v20+s30+$0x0] =	vst.idx.msk $0xffff, v21;
	v19 =	vor.u32 s12, v9;
	v18 =	vld [tilespmem:s19+$0x0]  }
0x10c: {  	[tilespmem:v23+s30+$0x0] =	vst.idx.msk $0xffff, v22;
	v20 =	vor.u32 s25, v7;
	v21 =	vld [tilespmem:s5+$0x4000]  }
0x10d: {  	v23 =	vor.u32 s24, v4;
	v22 =	vld [tilespmem:s3+$0x180];
	_ =	sdelay $0x1  }
0x10e: {  	s5 =	sor.u32 $0x6080, s9;
	[tilespmem:v24+s30+$0x0] =	vst.idx.msk $0xffff, v25  }
0x10f: {  	s0 =	sor.u32 s31, s29;
	v24 =	vor.u32 s4, v3;
	s20 =	sor.u32 s7, s5;
	v25 =	vld [tilespmem:s6+$0x100];
	[tilespmem:v19+s30+$0x0] =	vst.idx.msk $0xffff, v18  }
0x110: {  	s0 =	sor.u32 $0x380, s0;
	[tilespmem:v20+s30+$0x0] =	vst.idx.msk $0xffff, v21;
	v19 =	vor.u32 s12, v10;
	v18 =	vld [tilespmem:s20+$0x0]  }
0x111: {  	[tilespmem:v23+s30+$0x0] =	vst.idx.msk $0xffff, v22;
	v20 =	vor.u32 s25, v8;
	v21 =	vld [tilespmem:s0+$0x4000]  }
0x112: {  	v23 =	vor.u32 s24, v5;
	v22 =	vld [tilespmem:s3+$0x200];
	_ =	sdelay $0x1  }
0x113: {  	s17 =	sor.u32 $0x6100, s9;
	[tilespmem:v24+s30+$0x0] =	vst.idx.msk $0xffff, v25  }
0x114: {  	s22 =	simm.s32 $0x200;
	s21 =	sor.u32 s7, s17;
	v24 =	vor.u32 s4, v4;
	v25 =	vld [tilespmem:s6+$0x180];
	[tilespmem:v19+s30+$0x0] =	vst.idx.msk $0xffff, v18  }
0x115: {  	s26 =	sor.u32 s2, s16;
	s18 =	simm.s32 $0x50;
	s0 =	sand.u32 $0x1C00, s22;
	[tilespmem:v20+s30+$0x0] =	vst.idx.msk $0xffff, v21;
	v19 =	vor.u32 s12, v11;
	v18 =	vld [tilespmem:s21+$0x0]  }
0x116: {  	s31 =	simm.s32 $0x500;
	[tilespmem:v23+s30+$0x0] =	vst.idx.msk $0xffff, v22;
	s10 =	sand.u32 $0x70, s18;
	s29 =	sor.u32 $0x4000, s0;
	v20 =	vor.u32 s25, v9;
	v21 =	vld [tilespmem:s26+$0x0]  }
0x117: {  	v26 =	vor.u32 s31, v0;
	v23 =	vor.u32 s24, v6;
	v22 =	vld [tilespmem:s3+$0x280];
	s19 =	simm.s32 $0x2;
	s22 =	sor.u32 s10, s29  }
0x118: {  	v26 =	vand.u32 v17, v26;
	s1 =	sand.u32 $0x7, s19;
	v27 =	vld [tilespmem:s22+$0x0]  }
0x119: {  	s19 =	sor.u32 $0x6180, s9;
	s3 =	sshll.u32 s1, $0x4;
	[tilespmem:v24+s30+$0x0] =	vst.idx.msk $0xffff, v25  }
0x11a: {  	s3 =	sadd.s32 $0x100, s3;
	s20 =	sor.u32 s7, s19;
	v24 =	vor.u32 s4, v5;
	v25 =	vld [tilespmem:s6+$0x200];
	[tilespmem:v19+s30+$0x0] =	vst.idx.msk $0xffff, v18  }
0x11b: {  	s5 =	sor.u32 s2, s5;
	s3 =	sadd.s32 $0x10, s3;
	[tilespmem:v20+s30+$0x0] =	vst.idx.msk $0xffff, v21;
	v19 =	vor.u32 s12, v12;
	v18 =	vld [tilespmem:s20+$0x0]  }
0x11c: {  	[tilespmem:v23+s30+$0x0] =	vst.idx.msk $0xffff, v22;
	s3 =	sor.u32 $0x300, s3;
	v20 =	vor.u32 s25, v10;
	s20 =	simm.s32 $0x40;
	v21 =	vld [tilespmem:s5+$0x0]  }
0x11d: {  	v23 =	vor.u32 s24, v7;
	v22 =	vld [tilespmem:s3+$0x4000];
	[tilespmem:v26+s30+$0x0] =	vst.idx.msk $0xffff, v27;
	s5 =	simm.s32 $0x400;
	s1 =	sand.u32 $0x60, s20  }
0x11e: {  	v28 =	vor.u32 s31, v2;
	v27 =	vld [tilespmem:s22+$0x80];
	v26 =	vor.u32 s5, v0;
	s26 =	sor.u32 s1, s29  }
0x11f: {  	s16 =	sor.u32 $0x6200, s9;
	[tilespmem:v24+s30+$0x0] =	vst.idx.msk $0xffff, v25;
	v25 =	vand.u32 v1, v26;
	v24 =	vld [tilespmem:s26+$0x0]  }
0x120: {  	v29 =	vor.u32 s4, v6;
	s21 =	sor.u32 s7, s16;
	v26 =	vld [tilespmem:s6+$0x280];
	[tilespmem:v19+s30+$0x0] =	vst.idx.msk $0xffff, v18  }
0x121: {  	s14 =	sor.u32 s14, s11;
	s3 =	simm.s32 $0x1;
	s29 =	sor.u32 s2, s17;
	[tilespmem:v20+s30+$0x0] =	vst.idx.msk $0xffff, v21;
	v19 =	vor.u32 s12, v13;
	v18 =	vld [tilespmem:s21+$0x0]  }
0x122: {  	s14 =	sor.u32 $0x380, s14;
	[tilespmem:v23+s30+$0x0] =	vst.idx.msk $0xffff, v22;
	v21 =	vor.u32 s25, v11;
	v20 =	vld [tilespmem:s29+$0x0];
	s21 =	sand.u32 $0x3, s3  }
0x123: {  	v23 =	vor.u32 s24, v8;
	v22 =	vld [tilespmem:s14+$0x4000];
	[tilespmem:v28+s30+$0x0] =	vst.idx.msk $0xffff, v27;
	s6 =	sshll.u32 s21, $0x5  }
0x124: {  	s6 =	sadd.s32 $0x100, s6;
	[tilespmem:v25+s30+$0x0] =	vst.idx.msk $0xffff, v24;
	v24 =	vld [tilespmem:s22+$0x100];
	v25 =	vor.u32 s31, v3  }
0x125: {  	s14 =	sor.u32 $0x6280, s9;
	v27 =	vor.u32 s5, v2;
	[tilespmem:v29+s30+$0x0] =	vst.idx.msk $0xffff, v26;
	s6 =	sor.u32 $0x300, s6;
	v28 =	vld [tilespmem:s26+$0x80]  }
0x126: {  	s29 =	sor.u32 s7, s14;
	v26 =	vor.u32 s4, v7;
	v29 =	vld [tilespmem:s6+$0x4000];
	[tilespmem:v19+s30+$0x0] =	vst.idx.msk $0xffff, v18  }
0x127: {  	s3 =	sor.u32 s2, s19;
	s6 =	sor.u32 $0x6000, s15;
	[tilespmem:v21+s30+$0x0] =	vst.idx.msk $0xffff, v20;
	v19 =	vor.u32 s12, v14;
	v18 =	vld [tilespmem:s29+$0x0]  }
0x128: {  	[tilespmem:v23+s30+$0x0] =	vst.idx.msk $0xffff, v22;
	v20 =	vor.u32 s25, v12;
	s19 =	sor.u32 s8, s6;
	v21 =	vld [tilespmem:s3+$0x0]  }
0x129: {  	v23 =	vor.u32 s24, v9;
	v22 =	vld [tilespmem:s19+$0x0];
	[tilespmem:v25+s30+$0x0] =	vst.idx.msk $0xffff, v24  }
0x12a: {  	s11 =	sor.u32 s13, s11;
	v25 =	vor.u32 s31, v4;
	[tilespmem:v27+s30+$0x0] =	vst.idx.msk $0xffff, v28;
	v24 =	vld [tilespmem:s22+$0x180]  }
0x12b: {  	s11 =	sor.u32 $0x380, s11;
	s13 =	sor.u32 $0x6300, s9;
	v27 =	vor.u32 s5, v3;
	v28 =	vld [tilespmem:s26+$0x100];
	[tilespmem:v26+s30+$0x0] =	vst.idx.msk $0xffff, v29  }
0x12c: {  	s21 =	sor.u32 s7, s13;
	v26 =	vor.u32 s4, v8;
	v29 =	vld [tilespmem:s11+$0x4000];
	[tilespmem:v19+s30+$0x0] =	vst.idx.msk $0xffff, v18  }
0x12d: {  	s16 =	sor.u32 s2, s16;
	s29 =	sor.u32 $0x6080, s15;
	[tilespmem:v20+s30+$0x0] =	vst.idx.msk $0xffff, v21;
	v19 =	vor.u32 s12, v15;
	v18 =	vld [tilespmem:s21+$0x0]  }
0x12e: {  	s3 =	sor.u32 s8, s29;
	v20 =	vor.u32 s25, v13;
	[tilespmem:v23+s30+$0x0] =	vst.idx.msk $0xffff, v22;
	v21 =	vld [tilespmem:s16+$0x0]  }
0x12f: {  	v23 =	vor.u32 s24, v10;
	v22 =	vld [tilespmem:s3+$0x0];
	[tilespmem:v25+s30+$0x0] =	vst.idx.msk $0xffff, v24  }
0x130: {  	v25 =	vor.u32 s31, v5;
	[tilespmem:v27+s30+$0x0] =	vst.idx.msk $0xffff, v28;
	v24 =	vld [tilespmem:s22+$0x200]  }
0x131: {  	s9 =	sor.u32 $0x6380, s9;
	s6 =	sor.u32 s23, s6;
	v27 =	vor.u32 s5, v4;
	v28 =	vld [tilespmem:s26+$0x180];
	[tilespmem:v26+s30+$0x0] =	vst.idx.msk $0xffff, v29  }
0x132: {  	s7 =	sor.u32 s7, s9;
	v26 =	vor.u32 s4, v9;
	v29 =	vld [tilespmem:s6+$0x0];
	[tilespmem:v19+s30+$0x0] =	vst.idx.msk $0xffff, v18  }
0x133: {  	s19 =	sor.u32 $0x6100, s15;
	s11 =	sor.u32 s2, s14;
	[tilespmem:v20+s30+$0x0] =	vst.idx.msk $0xffff, v21;
	v18 =	vld [tilespmem:s7+$0x0]  }
0x134: {  	s14 =	sor.u32 s8, s19;
	v19 =	vor.u32 s25, v14;
	[tilespmem:v23+s30+$0x0] =	vst.idx.msk $0xffff, v22;
	v20 =	vld [tilespmem:s11+$0x0]  }
0x135: {  	s17 =	simm.s32 $0x700;
	v22 =	vor.u32 s24, v11;
	v21 =	vld [tilespmem:s14+$0x0];
	[tilespmem:v25+s30+$0x0] =	vst.idx.msk $0xffff, v24  }
0x136: {  	s21 =	sor.u32 s23, s29;
	s16 =	simm.s32 $0x300;
	s7 =	simm.s32 $0x70;
	v24 =	vor.u32 s31, v6;
	[tilespmem:v27+s30+$0x0] =	vst.idx.msk $0xffff, v28;
	v23 =	vld [tilespmem:s22+$0x280]  }
0x137: {  	s11 =	sand.u32 $0x1C00, s16;
	s14 =	simm.s32 $0x4;
	v25 =	vor.u32 s5, v5;
	s22 =	sand.u32 $0x70, s7;
	v27 =	vld [tilespmem:s26+$0x200];
	[tilespmem:v26+s30+$0x0] =	vst.idx.msk $0xffff, v29  }
0x138: {  	s28 =	sor.u32 $0x4000, s11;
	s29 =	sand.u32 $0x7, s14;
	v26 =	vor.u32 s12, v16;
	v28 =	vld [tilespmem:s21+$0x0];
	[dreg:$0x4] =	wrdreg s22  }
0x139: {  	s6 =	sshll.u32 s29, $0x4;
	v29 =	vor.u32 s17, v0;
	s22 =	sor.u32 s22, s28;
	[tilespmem:v19+s30+$0x0] =	vst.idx.msk $0xffff, v20  }
0x13a: {  	s6 =	sadd.s32 $0x200, s6;
	s21 =	sor.u32 s2, s13;
	v29 =	vand.u32 v17, v29;
	s13 =	sor.u32 $0x6180, s15;
	v30 =	vld [tilespmem:s22+$0x0];
	[tilespmem:v22+s30+$0x0] =	vst.idx.msk $0xffff, v21  }
0x13b: {  	s6 =	sadd.s32 $0x10, s6;
	v20 =	vor.u32 s4, v10;
	s29 =	sor.u32 s8, s13;
	v19 =	vld [tilespmem:s21+$0x0];
	[tilespmem:v24+s30+$0x0] =	vst.idx.msk $0xffff, v23  }
0x13c: {  	v22 =	vor.u32 s24, v12;
	s3 =	sor.u32 $0x300, s6;
	s6 =	simm.s32 $0x60;
	v21 =	vld [tilespmem:s29+$0x0];
	[tilespmem:v25+s30+$0x0] =	vst.idx.msk $0xffff, v27  }
0x13d: {  	s21 =	sand.u32 $0x60, s6;
	v23 =	vld [tilespmem:s3+$0x4000];
	[tilespmem:v26+s30+$0x0] =	vst.idx.msk $0xffff, v18  }
0x13e: {  	s29 =	simm.s32 $0x600;
	v24 =	vor.u32 s25, v15;
	v25 =	vld [tilespmem:s26+$0x280];
	[dreg:$0x7] =	wrdreg s21  }
0x13f: {  	v18 =	vor.u32 s29, v0;
	v26 =	vor.u32 s31, v7;
	s26 =	sor.u32 s21, s28;
	[tilespmem:v29+s30+$0x0] =	vst.idx.msk $0xffff, v30  }
0x140: {  	s24 =	sor.u32 s23, s19;
	s19 =	sor.u32 $0x6200, s15;
	v31 =	vand.u32 v1, v18;
	v27 =	vld [tilespmem:s26+$0x0];
	[tilespmem:v20+s30+$0x0] =	vst.idx.msk $0xffff, v28  }
0x141: {  	s28 =	smov.u32 s0;
	s0 =	sor.u32 s8, s19;
	v28 =	vor.u32 s17, v2;
	v20 =	vld [tilespmem:s22+$0x80];
	[tilespmem:v22+s30+$0x0] =	vst.idx.msk $0xffff, v21  }
0x142: {  	s21 =	simm.s32 $0x300;
	v30 =	vor.u32 s5, v6;
	v21 =	vld [tilespmem:s0+$0x0];
	s0 =	simm.s32 $0x200  }
0x143: {  	s12 =	simm.s32 $0x2;
	s2 =	sor.u32 s2, s9;
	v29 =	vld [tilespmem:s24+$0x0];
	v22 =	vor.u32 s21, v13;
	[tilespmem:v24+s30+$0x0] =	vst.idx.msk $0xffff, v19;
	s3 =	sor.u32 s18, s0  }
0x144: {  	v24 =	vor.u32 s4, v11;
	v18 =	vld [tilespmem:s2+$0x0];
	s18 =	sand.u32 $0x3, s12;
	[tilespmem:v26+s30+$0x0] =	vst.idx.msk $0xffff, v23;
	s9 =	sor.u32 $0x380, s3  }
0x145: {  	v26 =	vor.u32 s31, v8;
	s2 =	sshll.u32 s18, $0x5;
	v23 =	vld [tilespmem:s9+$0x4000];
	[tilespmem:v31+s30+$0x0] =	vst.idx.msk $0xffff, v27  }
0x146: {  	s2 =	sadd.s32 $0x200, s2;
	v27 =	vor.u32 s29, v2;
	v31 =	vld [tilespmem:s26+$0x80];
	[tilespmem:v28+s30+$0x0] =	vst.idx.msk $0xffff, v20  }
0x147: {  	v41 =	vor.u32 s31, v9;
	v33 =	vor.u32 s17, v3;
	[tilespmem:v30+s30+$0x0] =	vst.idx.msk $0xffff, v25;
	s24 =	sor.u32 $0x300, s2;
	s2 =	sor.u32 $0x6280, s15;
	v28 =	vld [tilespmem:s22+$0x100]  }
0x148: {  	v35 =	vor.u32 s5, v7;
	v19 =	vor.u32 s25, v16;
	v30 =	vld [tilespmem:s24+$0x4000];
	[tilespmem:v22+s30+$0x0] =	vst.idx.msk $0xffff, v21;
	s25 =	sor.u32 s8, s2  }
0x149: {  	v37 =	vor.u32 s4, v12;
	v38 =	vor.u32 s21, v14;
	s3 =	sor.u32 s23, s13;
	[tilespmem:v24+s30+$0x0] =	vst.idx.msk $0xffff, v29;
	v36 =	vld [tilespmem:s25+$0x0]  }
0x14a: {  	v47 =	vor.u32 s5, v8;
	v34 =	vor.u32 s5, v9;
	v32 =	vor.u32 s5, v10;
	s13 =	sor.u32 $0x6000, s28;
	v39 =	vld [tilespmem:s3+$0x0];
	[tilespmem:v26+s30+$0x0] =	vst.idx.msk $0xffff, v23  }
0x14b: {  	v51 =	vor.u32 s17, v4;
	v46 =	vor.u32 s29, v3;
	s18 =	sor.u32 s20, s0;
	s20 =	simm.s32 $0x3;
	v25 =	vor.u32 s4, v13;
	s12 =	sor.u32 s10, s13;
	[tilespmem:v27+s30+$0x0] =	vst.idx.msk $0xffff, v31  }
0x14c: {  	s31 =	sor.u32 s23, s19;
	s9 =	sand.u32 $0x3, s20;
	v20 =	vor.u32 s4, v16;
	v24 =	vor.u32 s4, v14;
	v21 =	vor.u32 s4, v15;
	v27 =	vld [tilespmem:s12+$0x0];
	[tilespmem:v33+s30+$0x0] =	vst.idx.msk $0xffff, v28  }
0x14d: {  	s0 =	smov.u32 s1;
	s4 =	sor.u32 $0x380, s18;
	v29 =	vor.u32 s5, v12;
	v22 =	vor.u32 s5, v16;
	s24 =	sshll.u32 s9, $0x5;
	v26 =	vor.u32 s5, v14;
	v48 =	vld [tilespmem:s26+$0x100];
	[tilespmem:v35+s30+$0x0] =	vst.idx.msk $0xffff, v30  }
0x14e: {  	s3 =	smov.u32 s10;
	s10 =	sor.u32 $0x6300, s15;
	v23 =	vor.u32 s5, v15;
	v31 =	vor.u32 s5, v11;
	v28 =	vor.u32 s5, v13;
	s5 =	sadd.s32 $0x300, s24;
	v49 =	vld [tilespmem:s22+$0x180];
	[tilespmem:v38+s30+$0x0] =	vst.idx.msk $0xffff, v36  }
0x14f: {  	s13 =	sor.u32 s1, s13;
	s25 =	sor.u32 s8, s10;
	v52 =	vld [tilespmem:s4+$0x4000];
	[tilespmem:v37+s30+$0x0] =	vst.idx.msk $0xffff, v39;
	s24 =	sor.u32 $0x300, s5  }
0x150: {  	v54 =	vor.u32 s21, v15;
	s9 =	simm.s32 $0x6;
	s12 =	sor.u32 $0x6080, s28;
	v53 =	vld [tilespmem:s25+$0x0];
	[dreg:$0x8] =	wrdreg s24  }
0x151: {  	v44 =	vor.u32 s29, v4;
	v42 =	vor.u32 s29, v5;
	v40 =	vor.u32 s29, v6;
	s20 =	sor.u32 s23, s2;
	s15 =	sor.u32 $0x6380, s15;
	v45 =	vld [tilespmem:s31+$0x0];
	s31 =	sor.u32 s3, s12;
	[tilespmem:v41+s30+$0x0] =	vst.idx.msk $0xffff, v27  }
0x152: {  	v43 =	vor.u32 s29, v9;
	s10 =	sor.u32 s23, s10;
	s19 =	sor.u32 s23, s15;
	v35 =	vor.u32 s29, v11;
	v33 =	vor.u32 s29, v12;
	s25 =	sor.u32 s6, s16;
	[tilespmem:v46+s30+$0x0] =	vst.idx.msk $0xffff, v48;
	v46 =	vld [tilespmem:s31+$0x0]  }
0x153: {  	v30 =	vor.u32 s29, v15;
	v39 =	vor.u32 s29, v7;
	v38 =	vor.u32 s29, v8;
	s24 =	smov.u32 s3;
	s3 =	sor.u32 $0x380, s25;
	s25 =	simm.s32 $0x500;
	v50 =	vld [tilespmem:s26+$0x180];
	[tilespmem:v51+s30+$0x0] =	vst.idx.msk $0xffff, v49  }
0x154: {  	s18 =	sor.u32 s8, s15;
	s8 =	simm.s32 $0x700;
	s15 =	simm.s32 $0x300;
	v37 =	vor.u32 s29, v10;
	v36 =	vor.u32 s29, v14;
	[tilespmem:v47+s30+$0x0] =	vst.idx.msk $0xffff, v52;
	v47 =	vor.u32 s25, v10;
	v49 =	vld [tilespmem:s22+$0x200]  }
0x155: {  	s23 =	simm.s32 $0x70;
	s5 =	simm.s32 $0x4;
	s6 =	sor.u32 s1, s12;
	v41 =	vor.u32 s29, v13;
	v27 =	vor.u32 s29, v16;
	v51 =	vor.u32 s17, v5;
	v48 =	vld [tilespmem:s13+$0x0];
	[tilespmem:v54+s30+$0x0] =	vst.idx.msk $0xffff, v53  }
.LBB2_8:
0x156: {  	[dreg:$0xa] =	wrdreg s19  }
0x157: {  	[dreg:$0x9] =	wrdreg s3;
	s13 =	sand.u32 $0x3, s5  }
0x158: {  	s29 =	sor.u32 $0x6100, s28;
	v63 =	vld [tilespmem:s18+$0x0];
	v52 =	vor.u32 s21, v16;
	s21 =	smov.u32 s25;
	s1 =	smov.u32 s24;
	[tilespmem:v25+s30+$0x0] =	vst.idx.msk $0xffff, v45  }
0x159: {  	s17 =	sadd.s32 $0x200, s17;
	s7 =	sadd.s32 $0x20, s7;
	s31 =	sor.u32 s24, s29;
	[tilespmem:v47+s30+$0x0] =	vst.idx.msk $0xffff, v46;
	v55 =	vld [tilespmem:s20+$0x0]  }
0x15a: {  	s16 =	sadd.s32 $0x100, s16;
	s14 =	sadd.s32 $0x2, s14;
	s3 =	sshll.u32 s13, $0x5;
	v57 =	vor.u32 s21, v11;
	[tilespmem:v44+s30+$0x0] =	vst.idx.msk $0xffff, v50;
	v56 =	vld [tilespmem:s31+$0x0]  }
0x15b: {  	s18 =	sand.u32 $0x1C00, s16;
	v58 =	vld [tilespmem:s26+$0x200];
	[tilespmem:v51+s30+$0x0] =	vst.idx.msk $0xffff, v49;
	s31 =	smov.u32 s11;
	s11 =	simm.s32 $0xC000  }
0x15c: {  	v59 =	vor.u32 s8, v6;
	s2 =	sor.u32 s0, s29;
	s4 =	sor.u32 $0x4000, s18;
	s30 =	sand.u32 $0x70, s7;
	v49 =	vld [tilespmem:s22+$0x280];
	[tilespmem:v34+s11+$0x0] =	vst.idx.msk $0xffff, v48  }
0x15d: {  	s24 =	sadd.s32 $0xFFFFFFF0, s7;
	v60 =	vor.u32 s17, v0;
	s12 =	sand.u32 $0x7, s14;
	s22 =	sor.u32 s30, s4;
	[tilespmem:v52+s11+$0x0] =	vst.idx.msk $0xffff, v63;
	v48 =	vld [tilespmem:s6+$0x0]  }
0x15e: {  	s29 =	sor.u32 $0x6180, s28;
	s13 =	sadd.s32 $0xFFFFFF00, s17;
	s25 =	sshll.u32 s12, $0x4;
	v34 =	vmov v43;
	v43 =	vand.u32 v17, v60;
	v45 =	vld [tilespmem:s22+$0x0];
	[tilespmem:v24+s11+$0x0] =	vst.idx.msk $0xffff, v55  }
0x15f: {  	s12 =	sor.u32 s1, s29;
	s20 =	sand.u32 $0x60, s24;
	s6 =	sadd.s32 s15, s25;
	[tilespmem:v57+s11+$0x0] =	vst.idx.msk $0xffff, v56;
	v61 =	vld [tilespmem:s10+$0x0]  }
0x160: {  	v25 =	vmov v28;
	v28 =	vmov v41;
	v46 =	vor.u32 s21, v12;
	s19 =	sor.u32 s20, s4;
	s4 =	sadd.s32 s3, s16;
	s6 =	sadd.s32 $0x10, s6;
	[tilespmem:v42+s11+$0x0] =	vst.idx.msk $0xffff, v58;
	v41 =	vld [tilespmem:s12+$0x0]  }
0x161: {  	s24 =	sor.u32 s24, s16;
	s3 =	sor.u32 $0x300, s4;
	s25 =	sor.u32 $0x300, s6;
	v47 =	vld [tilespmem:s19+$0x0];
	[tilespmem:v59+s11+$0x0] =	vst.idx.msk $0xffff, v49  }
0x162: {  	v53 =	vor.u32 s8, v7;
	v62 =	vor.u32 s13, v0;
	s4 =	rddreg [dreg:$0x4];
	s6 =	sor.u32 $0x380, s24;
	s24 =	smov.u32 s30;
	v50 =	vld [tilespmem:s25+$0x4000];
	[tilespmem:v32+s11+$0x0] =	vst.idx.msk $0xffff, v48  }
0x163: {  	s30 =	smov.u32 s0;
	s10 =	sor.u32 s0, s29;
	s29 =	smov.u32 s1;
	v49 =	vand.u32 v1, v62;
	[tilespmem:v43+s11+$0x0] =	vst.idx.msk $0xffff, v45;
	v45 =	vld [tilespmem:s26+$0x280]  }
0x164: {  	v54 =	vor.u32 s13, v7;
	s1 =	smov.u32 s4;
	v57 =	vor.u32 s17, v2;
	[dreg:$0x4] =	wrdreg s24;
	v56 =	vld [tilespmem:s22+$0x80];
	s26 =	sor.u32 $0x6200, s28;
	[tilespmem:v21+s11+$0x0] =	vst.idx.msk $0xffff, v61  }
0x165: {  	v44 =	vor.u32 s13, v4;
	v51 =	vor.u32 s13, v2;
	v52 =	vor.u32 s13, v3;
	s4 =	sor.u32 s30, s26;
	s12 =	sor.u32 s29, s26;
	s26 =	rddreg [dreg:$0x7];
	v60 =	vld [tilespmem:s2+$0x0];
	[tilespmem:v46+s11+$0x0] =	vst.idx.msk $0xffff, v41  }
0x166: {  	v24 =	vmovc v26;
	v26 =	vmovc v36;
	v55 =	vor.u32 s13, v8;
	v36 =	vor.u32 s13, v14;
	s24 =	smov.u32 s26;
	v61 =	vor.u32 s21, v13;
	s26 =	rddreg [dreg:$0xa];
	s2 =	sor.u32 s23, s15;
	[tilespmem:v19+s11+$0x0] =	vst.idx.msk $0xffff, v18;
	v46 =	vld [tilespmem:s12+$0x0]  }
0x167: {  	v42 =	vor.u32 s13, v5;
	v58 =	vor.u32 s13, v11;
	v62 =	vor.u32 s17, v3;
	s25 =	smov.u32 s8;
	[tilespmem:v53+s11+$0x0] =	vst.idx.msk $0xffff, v50;
	s12 =	sor.u32 $0x380, s2;
	v18 =	vld [tilespmem:s26+$0x0]  }
0x168: {  	v59 =	vor.u32 s13, v12;
	v32 =	vmovc v37;
	v48 =	vor.u32 s13, v6;
	v63 =	vor.u32 s25, v8;
	s26 =	smov.u32 s19;
	[tilespmem:v49+s11+$0x0] =	vst.idx.msk $0xffff, v47;
	v47 =	vld [tilespmem:s12+$0x4000]  }
0x169: {  	v43 =	vor.u32 s13, v9;
	v37 =	vor.u32 s13, v10;
	v21 =	vmovc v23;
	v23 =	vmovc v30;
	v30 =	vor.u32 s13, v15;
	v50 =	vld [tilespmem:s26+$0x80];
	[tilespmem:v57+s11+$0x0] =	vst.idx.msk $0xffff, v56  }
0x16a: {  	v41 =	vor.u32 s13, v13;
	v19 =	vmovc v20;
	v20 =	vmovc v22;
	v22 =	vmov v27;
	v27 =	vor.u32 s13, v16;
	s13 =	rddreg [dreg:$0x8];
	s2 =	smov.u32 s20;
	[tilespmem:v40+s11+$0x0] =	vst.idx.msk $0xffff, v45;
	s12 =	sor.u32 $0x6280, s28;
	v53 =	vld [tilespmem:s22+$0x100]  }
0x16b: {  	[dreg:$0x7] =	wrdreg s2;
	v45 =	vld [tilespmem:s13+$0x4000];
	s2 =	sor.u32 s29, s12;
	[tilespmem:v61+s11+$0x0] =	vst.idx.msk $0xffff, v46  }
0x16c: {  	s0 =	sor.u32 $0x6000, s31;
	v40 =	vmov v48;
	v48 =	vor.u32 s21, v14;
	[tilespmem:v31+s11+$0x0] =	vst.idx.msk $0xffff, v60;
	v46 =	vld [tilespmem:s2+$0x0]  }
0x16d: {  	s20 =	sor.u32 s30, s12;
	s12 =	sor.u32 s1, s0;
	[tilespmem:v63+s11+$0x0] =	vst.idx.msk $0xffff, v47;
	v63 =	vld [tilespmem:s10+$0x0]  }
0x16e: {  	s9 =	sadd.s32 $0x2, s9;
	s19 =	smov.u32 s3;
	v60 =	vor.u32 s25, v9;
	[tilespmem:v51+s11+$0x0] =	vst.idx.msk $0xffff, v50;
	v49 =	vld [tilespmem:s12+$0x0]  }
0x16f: {  	p2 =	slt.u32 s9, $0x3E;
	[dreg:$0x8] =	wrdreg s19;
	v51 =	vld [tilespmem:s26+$0x100];
	[tilespmem:v62+s11+$0x0] =	vst.idx.msk $0xffff, v53  }
0x170: {  	s3 =	sor.u32 $0x6300, s28;
	s19 =	sor.u32 $0x6080, s31;
	s13 =	rddreg [dreg:$0x9];
	v61 =	vor.u32 s17, v4;
	[tilespmem:v39+s11+$0x0] =	vst.idx.msk $0xffff, v45;
	v53 =	vld [tilespmem:s22+$0x180]  }
0x171: {  	s2 =	sor.u32 s24, s0;
	s10 =	sor.u32 s30, s3;
	s12 =	sor.u32 s29, s3;
	v62 =	vld [tilespmem:s13+$0x4000];
	[tilespmem:v48+s11+$0x0] =	vst.idx.msk $0xffff, v46  }
0x172: {  	s0 =	smov.u32 s24;
	s3 =	smov.u32 s6;
	s6 =	sor.u32 s24, s19;
	[tilespmem:v29+s11+$0x0] =	vst.idx.msk $0xffff, v63;
	v63 =	vor.u32 s21, v15;
	v57 =	vld [tilespmem:s12+$0x0]  }
.Ltmp7:
0x173: {  	s24 =	smov.u32 s1;
	s1 =	sor.u32 s1, s19;
	[tilespmem:v60+s11+$0x0] =	vst.idx.msk $0xffff, v49;
	v45 =	vld [tilespmem:s4+$0x0];
	(pc) =	sbr.rel @p2 .LBB2_8-.Ltmp7, $4  }
0x174: {  	s5 =	sadd.s32 $0x1, s5;
	[tilespmem:v52+s11+$0x0] =	vst.idx.msk $0xffff, v51;
	v46 =	vld [tilespmem:s1+$0x0]  }
0x175: {  	s8 =	smov.u32 s17;
	s23 =	smov.u32 s7;
	s13 =	sor.u32 $0x6380, s28;
	v50 =	vld [tilespmem:s26+$0x180];
	[tilespmem:v61+s11+$0x0] =	vst.idx.msk $0xffff, v53  }
0x176: {  	s15 =	smov.u32 s16;
	v31 =	vmov v35;
	v35 =	vmov v58;
	v47 =	vor.u32 s25, v10;
	s19 =	sor.u32 s30, s13;
	s30 =	simm.s32 $0xC000;
	[tilespmem:v38+s11+$0x0] =	vst.idx.msk $0xffff, v62;
	v49 =	vld [tilespmem:s22+$0x200]  }
0x177: {  	v39 =	vmovc v54;
	s28 =	smov.u32 s31;
	v29 =	vmovc v33;
	v33 =	vmov v59;
	v51 =	vor.u32 s17, v5;
	v38 =	vmov v55;
	s11 =	smov.u32 s18;
	s18 =	sor.u32 s29, s13;
	v48 =	vld [tilespmem:s2+$0x0];
	[tilespmem:v63+s30+$0x0] =	vst.idx.msk $0xffff, v57  }
0x178: {  	_ =	sdelay $0x3  }
0x179: {  	[tilespmem:v44+s30+$0x0] =	vst.idx.msk $0xffff, v50  }
0x17a: {  	v44 =	vld [tilespmem:s26+$0x200];
	_ =	sdelay $0x1  }
0x17b: {  	[tilespmem:v51+s30+$0x0] =	vst.idx.msk $0xffff, v49  }
0x17c: {  	s5 =	sadd.s32 $0x2, s14;
	v60 =	vor.u32 s8, v6;
	v49 =	vld [tilespmem:s22+$0x280]  }
0x17d: {  	s5 =	sand.u32 $0x7, s5  }
0x17e: {  	s5 =	sshll.u32 s5, $0x4;
	[tilespmem:v42+s30+$0x0] =	vst.idx.msk $0xffff, v44  }
0x17f: {  	s5 =	sadd.s32 s15, s5;
	v42 =	vld [tilespmem:s26+$0x280]  }
0x180: {  	s5 =	sadd.s32 $0x10, s5  }
0x181: {  	s5 =	sor.u32 $0x300, s5;
	[tilespmem:v60+s30+$0x0] =	vst.idx.msk $0xffff, v49  }
0x182: {  	v62 =	vor.u32 s8, v7;
	v61 =	vld [tilespmem:s5+$0x4000];
	_ =	sdelay $0x1  }
0x183: {  	[tilespmem:v40+s30+$0x0] =	vst.idx.msk $0xffff, v42  }
0x184: {  	s2 =	rddreg [dreg:$0x8]  }
0x185: {  	s4 =	sor.u32 s23, s15;
	v40 =	vld [tilespmem:s2+$0x4000]  }
0x186: {  	s4 =	sor.u32 $0x380, s4;
	[tilespmem:v62+s30+$0x0] =	vst.idx.msk $0xffff, v61  }
0x187: {  	v49 =	vor.u32 s8, v8;
	v63 =	vld [tilespmem:s4+$0x4000];
	_ =	sdelay $0x2  }
0x188: {  	[tilespmem:v39+s30+$0x0] =	vst.idx.msk $0xffff, v40  }
0x189: {  	v39 =	vld [tilespmem:s3+$0x4000]  }
0x18a: {  	[tilespmem:v49+s30+$0x0] =	vst.idx.msk $0xffff, v63  }
0x18b: {  	s1 =	sor.u32 $0x6000, s11;
	s7 =	rddreg [dreg:$0x4]  }
0x18c: {  	s2 =	sor.u32 s7, s1  }
0x18d: {  	v51 =	vor.u32 s8, v9;
	s9 =	rddreg [dreg:$0x7];
	v50 =	vld [tilespmem:s2+$0x0]  }
0x18e: {  	s4 =	sor.u32 s9, s1;
	[tilespmem:v38+s30+$0x0] =	vst.idx.msk $0xffff, v39  }
0x18f: {  	v38 =	vld [tilespmem:s4+$0x0]  }
0x190: {  	s13 =	sor.u32 $0x6100, s28  }
0x191: {  	s14 =	sor.u32 s24, s13;
	s3 =	sor.u32 $0x6080, s11;
	[tilespmem:v47+s30+$0x0] =	vst.idx.msk $0xffff, v46  }
0x192: {  	v56 =	vor.u32 s25, v11;
	s12 =	sor.u32 s7, s3;
	v55 =	vld [tilespmem:s14+$0x0];
	[tilespmem:v51+s30+$0x0] =	vst.idx.msk $0xffff, v50  }
0x193: {  	v53 =	vor.u32 s8, v10;
	[tilespmem:v34+s30+$0x0] =	vst.idx.msk $0xffff, v48;
	v52 =	vld [tilespmem:s12+$0x0]  }
0x194: {  	v54 =	vld [tilespmem:s6+$0x0];
	s4 =	sor.u32 s9, s3;
	[tilespmem:v43+s30+$0x0] =	vst.idx.msk $0xffff, v38  }
0x195: {  	v38 =	vld [tilespmem:s4+$0x0]  }
0x196: {  	s17 =	sor.u32 $0x6180, s28  }
0x197: {  	s15 =	sor.u32 $0x6100, s11;
	s22 =	sor.u32 s24, s17;
	[tilespmem:v56+s30+$0x0] =	vst.idx.msk $0xffff, v55  }
0x198: {  	v61 =	vor.u32 s25, v12;
	s16 =	sor.u32 s7, s15;
	v60 =	vld [tilespmem:s22+$0x0];
	[tilespmem:v53+s30+$0x0] =	vst.idx.msk $0xffff, v52  }
0x199: {  	v58 =	vor.u32 s8, v11;
	s5 =	sor.u32 s0, s13;
	[tilespmem:v32+s30+$0x0] =	vst.idx.msk $0xffff, v54;
	v57 =	vld [tilespmem:s16+$0x0]  }
0x19a: {  	v59 =	vld [tilespmem:s5+$0x0];
	s4 =	sor.u32 s9, s15;
	[tilespmem:v37+s30+$0x0] =	vst.idx.msk $0xffff, v38  }
0x19b: {  	v37 =	vld [tilespmem:s4+$0x0]  }
0x19c: {  	s29 =	sor.u32 $0x6200, s28  }
0x19d: {  	s23 =	sor.u32 $0x6180, s11;
	s31 =	sor.u32 s24, s29;
	[tilespmem:v61+s30+$0x0] =	vst.idx.msk $0xffff, v60  }
0x19e: {  	v44 =	vor.u32 s25, v13;
	s26 =	sor.u32 s7, s23;
	v43 =	vld [tilespmem:s31+$0x0];
	[tilespmem:v58+s30+$0x0] =	vst.idx.msk $0xffff, v57  }
0x19f: {  	v63 =	vor.u32 s8, v12;
	s5 =	sor.u32 s0, s17;
	[tilespmem:v31+s30+$0x0] =	vst.idx.msk $0xffff, v59;
	v62 =	vld [tilespmem:s26+$0x0]  }
0x1a0: {  	v42 =	vld [tilespmem:s5+$0x0];
	s4 =	sor.u32 s9, s23;
	[tilespmem:v35+s30+$0x0] =	vst.idx.msk $0xffff, v37  }
0x1a1: {  	v35 =	vld [tilespmem:s4+$0x0]  }
0x1a2: {  	s12 =	sor.u32 $0x6280, s28  }
0x1a3: {  	s1 =	sor.u32 $0x6200, s11;
	s13 =	sor.u32 s24, s12;
	[tilespmem:v44+s30+$0x0] =	vst.idx.msk $0xffff, v43  }
0x1a4: {  	v49 =	vor.u32 s25, v14;
	s2 =	sor.u32 s7, s1;
	v48 =	vld [tilespmem:s13+$0x0];
	[tilespmem:v63+s30+$0x0] =	vst.idx.msk $0xffff, v62  }
0x1a5: {  	v46 =	vor.u32 s8, v13;
	s5 =	sor.u32 s0, s29;
	[tilespmem:v29+s30+$0x0] =	vst.idx.msk $0xffff, v42;
	v31 =	vld [tilespmem:s2+$0x0]  }
0x1a6: {  	v47 =	vld [tilespmem:s5+$0x0];
	s4 =	sor.u32 s9, s1;
	[tilespmem:v33+s30+$0x0] =	vst.idx.msk $0xffff, v35  }
0x1a7: {  	[tilespmem:v25+s30+$0x0] =	vst.idx.msk $0xffff, v45;
	v33 =	vld [tilespmem:s4+$0x0]  }
0x1a8: {  	v50 =	vld [tilespmem:s20+$0x0];
	s16 =	sor.u32 $0x6300, s28  }
0x1a9: {  	s14 =	sor.u32 $0x6280, s11;
	s17 =	sor.u32 s24, s16;
	[tilespmem:v49+s30+$0x0] =	vst.idx.msk $0xffff, v48  }
0x1aa: {  	s15 =	sor.u32 s7, s14;
	v57 =	vor.u32 s25, v15;
	v56 =	vld [tilespmem:s17+$0x0];
	[tilespmem:v46+s30+$0x0] =	vst.idx.msk $0xffff, v31  }
0x1ab: {  	v51 =	vor.u32 s8, v14;
	s5 =	sor.u32 s0, s12;
	[tilespmem:v28+s30+$0x0] =	vst.idx.msk $0xffff, v47;
	v29 =	vld [tilespmem:s15+$0x0]  }
0x1ac: {  	v52 =	vld [tilespmem:s5+$0x0];
	s4 =	sor.u32 s9, s14;
	[tilespmem:v41+s30+$0x0] =	vst.idx.msk $0xffff, v33  }
0x1ad: {  	[tilespmem:v24+s30+$0x0] =	vst.idx.msk $0xffff, v50;
	v53 =	vld [tilespmem:s4+$0x0]  }
0x1ae: {  	[tilespmem:v19+s30+$0x0] =	vst.idx.msk $0xffff, v18;
	s22 =	sor.u32 $0x6380, s28;
	v58 =	vld [tilespmem:s10+$0x0]  }
0x1af: {  	v54 =	vld [tilespmem:s18+$0x0];
	v55 =	vor.u32 s21, v16;
	s18 =	sor.u32 $0x6300, s11;
	s1 =	sor.u32 s24, s22;
	[tilespmem:v57+s30+$0x0] =	vst.idx.msk $0xffff, v56  }
0x1b0: {  	s20 =	sor.u32 s7, s18;
	v62 =	vor.u32 s25, v16;
	v24 =	vld [tilespmem:s1+$0x0];
	[tilespmem:v51+s30+$0x0] =	vst.idx.msk $0xffff, v29  }
0x1b1: {  	v59 =	vor.u32 s8, v15;
	[tilespmem:v26+s30+$0x0] =	vst.idx.msk $0xffff, v52;
	s4 =	sor.u32 s0, s16;
	v28 =	vld [tilespmem:s20+$0x0]  }
0x1b2: {  	s21 =	sor.u32 s9, s18;
	v60 =	vld [tilespmem:s4+$0x0];
	[tilespmem:v36+s30+$0x0] =	vst.idx.msk $0xffff, v53  }
0x1b3: {  	[tilespmem:v21+s30+$0x0] =	vst.idx.msk $0xffff, v58;
	v61 =	vld [tilespmem:s21+$0x0]  }
0x1b4: {  	[tilespmem:v55+s30+$0x0] =	vst.idx.msk $0xffff, v54;
	v21 =	vld [tilespmem:s19+$0x0]  }
0x1b5: {  	s23 =	sor.u32 $0x6380, s11;
	[tilespmem:v62+s30+$0x0] =	vst.idx.msk $0xffff, v24  }
0x1b6: {  	s3 =	smov.u32 s0;
	s24 =	sor.u32 s7, s23;
	[tilespmem:v59+s30+$0x0] =	vst.idx.msk $0xffff, v28  }
0x1b7: {  	v63 =	vor.u32 s8, v16;
	s0 =	sor.u32 s3, s22;
	[tilespmem:v23+s30+$0x0] =	vst.idx.msk $0xffff, v60;
	v26 =	vld [tilespmem:s24+$0x0]  }
0x1b8: {  	s29 =	rddreg [dreg:$0x2];
	s25 =	sor.u32 s9, s23;
	v23 =	vld [tilespmem:s0+$0x0];
	[tilespmem:v30+s30+$0x0] =	vst.idx.msk $0xffff, v61  }
0x1b9: {  	v18 =	vld [tilespmem:s25+$0x0];
	s26 =	rddreg [dreg:$0x17];
	[tilespmem:v20+s30+$0x0] =	vst.idx.msk $0xffff, v21  }
0x1ba: {  	s0 =	rddreg [dreg:$0xf]  }
0x1bb: {  	p2 =	sgt.u32 s26, $0x38F;
	s1 =	rddreg [dreg:$0x16]  }
0x1bc: {  	[tilespmem:v63+s30+$0x0] =	vst.idx.msk $0xffff, v26;
	s28 =	sshll.u32 s26, $0xB;
	s0 =	sadd.s32 @!p2 s0, s1;
	s1 =	rddreg [dreg:$0x0]  }
0x1bd: {  	[tilespmem:v22+s30+$0x0] =	vst.idx.msk $0xffff, v23;
	s2 =	simm.s32 @!p2 $0x7A1400;
	s3 =	simm.s32 @!p2 $0x4000;
	s0 =	sshll.u32 @!p2 s0, $0xA  }
.Ltmp8:
0x1be: {  	s0 =	sadd.s32 @!p2 s1, s0;
	s1 =	simm.s32 @!p2 $0x2000;
	[tilespmem:v27+s30+$0x0] =	vst.idx.msk $0xffff, v18;
	(pc) =	sbr.rel .LBB2_10-.Ltmp8, $4  }
0x1bf: {  	[tilespmem:s3], [sflag:$0x2] =	stream.strided.gather @!p2 [hbm4b:s0+s1], $0x4000, s2, s1, $0x38;
	[tilespmem:$0x10400] =	vst v63  }
0x1c0: {  	s31 =	simm.s32 $0x0;
	s0 =	sadd.s32 s29, s28  }
0x1c1: {  	[hbm4b:s0+s31] =	stream.linear.scatter [tilespmem:s30], [sflag:$0x4], $0x4000, $0x38;
	[tilespmem:$0x10400] =	vst v63  }
0x1c2: {  	s1 =	rddreg [dreg:$0x15];
	s30 =	simm.s32 $0x8000  }
.LBB2_11:
0x1c3: {  	s0 =	simm.s32 $0x3  }
0x1c4: {  	_ =	swait.ge [sflag:s0], $0x4000  }
.Ltmp9:
0x1c5: {  	[sflag:s0] =	ssyncset.done $0x0;
	(pc) =	sbr.rel @p0 .LBB2_16-.Ltmp9, $4  }
0x1c6: {  	s31 =	simm.s32 $0x4;
	[sflag:s0] =	ssyncadd.s32 $0xFFFFC000  }
0x1c7: {  	_ =	swait.ge [sflag:s31], $0x4000  }
0x1c8: {  	[sflag:s31] =	ssyncset.done $0x0  }
0x1c9: {  	[sflag:s31] =	ssyncadd.s32 $0xFFFFC000  }
.Ltmp10:
0x1ca: {  	(pc) =	sbr.rel @p1 .LBB2_17-.Ltmp10, $2  }
0x1cb: {  	_ =	sdelay $0x2  }
0x1cc: {  	s1 =	rddreg [dreg:$0x14]  }
0x1cd: {  	s6 =	simm.s32 $0x0;
	s0 =	rddreg [dreg:$0x11];
	s1 =	simm.s32 $0x2000  }
0x1ce: {  	[tilespmem:s6], [sflag:$0x1] =	stream.linear.gather [hbm4b:s0+s6], $0x1000, $0x38;
	[tilespmem:$0x10400] =	vst v63  }
0x1cf: {  	s11 =	simm.s32 $0x1;
	s8 =	simm.s32 $0x0;
	s0 =	sadd.s32 $0xF4280, s0  }
0x1d0: {  	[tilespmem:s1], [sflag:$0x1] =	stream.linear.gather [hbm4b:s0+s6], $0x1000, $0x38;
	[tilespmem:$0x10400] =	vst v63  }
0x1d1: {  	s2 =	sand.u32 $0x60, s8;
	_ =	swait.ge [sflag:s11], $0x2000  }
0x1d2: {  	s4 =	sand.u32 $0xC00, s6;
	s0 =	simm.s32 $0x0;
	[sflag:s11] =	ssyncset.done $0x0  }
0x1d3: {  	s9 =	sor.u32 s2, s4;
	v18 =	vor.u32 s0, v0;
	[sflag:s11] =	ssyncadd.s32 $0xFFFFE000  }
0x1d4: {  	v18 =	vand.u32 v1, v18;
	v19 =	vld [tilespmem:s9+$0x0];
	_ =	sdelay $0x3  }
0x1d5: {  	s7 =	simm.s32 $0x10  }
0x1d6: {  	s5 =	simm.s32 $0x100;
	s25 =	sand.u32 $0x70, s7;
	[tilespmem:v18+s30+$0x0] =	vst.idx.msk $0xffff, v19  }
0x1d7: {  	s13 =	sor.u32 s25, s4;
	v20 =	vor.u32 s0, v2;
	v18 =	vor.u32 s5, v0;
	v19 =	vld [tilespmem:s9+$0x80]  }
0x1d8: {  	v21 =	vld [tilespmem:s13+$0x0];
	v18 =	vand.u32 v17, v18;
	_ =	sdelay $0x3  }
0x1d9: {  	[tilespmem:v20+s30+$0x0] =	vst.idx.msk $0xffff, v19  }
0x1da: {  	[tilespmem:v18+s30+$0x0] =	vst.idx.msk $0xffff, v21;
	v19 =	vor.u32 s0, v3;
	v18 =	vld [tilespmem:s9+$0x100]  }
0x1db: {  	v20 =	vor.u32 s5, v2;
	v21 =	vld [tilespmem:s13+$0x80];
	_ =	sdelay $0x3  }
0x1dc: {  	[tilespmem:v19+s30+$0x0] =	vst.idx.msk $0xffff, v18  }
0x1dd: {  	[tilespmem:v20+s30+$0x0] =	vst.idx.msk $0xffff, v21;
	v19 =	vor.u32 s0, v4;
	v18 =	vld [tilespmem:s9+$0x180]  }
0x1de: {  	v20 =	vor.u32 s5, v3;
	v21 =	vld [tilespmem:s13+$0x100];
	_ =	sdelay $0x3  }
0x1df: {  	[tilespmem:v19+s30+$0x0] =	vst.idx.msk $0xffff, v18  }
0x1e0: {  	[tilespmem:v20+s30+$0x0] =	vst.idx.msk $0xffff, v21;
	v19 =	vor.u32 s0, v5;
	v18 =	vld [tilespmem:s9+$0x200]  }
0x1e1: {  	v20 =	vor.u32 s5, v4;
	v21 =	vld [tilespmem:s13+$0x180]  }
0x1e2: {  	s18 =	simm.s32 $0x100;
	s20 =	simm.s32 $0x20  }
0x1e3: {  	s3 =	sand.u32 $0xC00, s18;
	s1 =	sand.u32 $0x60, s20;
	s11 =	simm.s32 $0x200  }
0x1e4: {  	s22 =	sor.u32 s1, s3;
	v22 =	vor.u32 s11, v0  }
0x1e5: {  	s10 =	simm.s32 $0x30;
	v24 =	vld [tilespmem:s22+$0x0];
	v22 =	vand.u32 v1, v22;
	[tilespmem:v19+s30+$0x0] =	vst.idx.msk $0xffff, v18  }
0x1e6: {  	s24 =	sand.u32 $0x70, s10;
	[tilespmem:v20+s30+$0x0] =	vst.idx.msk $0xffff, v21;
	v19 =	vor.u32 s0, v6;
	v18 =	vld [tilespmem:s9+$0x280];
	s9 =	simm.s32 $0x300  }
0x1e7: {  	s16 =	sor.u32 s24, s3;
	v20 =	vor.u32 s5, v5;
	v21 =	vld [tilespmem:s13+$0x200];
	v23 =	vor.u32 s9, v0  }
0x1e8: {  	s14 =	sand.u32 $0x3, s6;
	v25 =	vld [tilespmem:s16+$0x0];
	v23 =	vand.u32 v17, v23  }
0x1e9: {  	s14 =	sshll.u32 s14, $0x5  }
0x1ea: {  	s14 =	sadd.s32 $0x0, s14;
	[tilespmem:v22+s30+$0x0] =	vst.idx.msk $0xffff, v24  }
0x1eb: {  	s14 =	sor.u32 $0x300, s14;
	v24 =	vor.u32 s11, v2;
	v22 =	vld [tilespmem:s22+$0x80];
	[tilespmem:v19+s30+$0x0] =	vst.idx.msk $0xffff, v18  }
0x1ec: {  	[tilespmem:v20+s30+$0x0] =	vst.idx.msk $0xffff, v21;
	v19 =	vor.u32 s0, v7;
	v18 =	vld [tilespmem:s14+$0x0]  }
0x1ed: {  	v20 =	vor.u32 s5, v6;
	v21 =	vld [tilespmem:s13+$0x280];
	[tilespmem:v23+s30+$0x0] =	vst.idx.msk $0xffff, v25  }
0x1ee: {  	s12 =	sand.u32 $0x7, s6;
	v23 =	vor.u32 s9, v2;
	v25 =	vld [tilespmem:s16+$0x80]  }
0x1ef: {  	s13 =	sshll.u32 s12, $0x4  }
0x1f0: {  	s8 =	sor.u32 s8, s6;
	[tilespmem:v24+s30+$0x0] =	vst.idx.msk $0xffff, v22;
	s13 =	sadd.s32 $0x0, s13  }
0x1f1: {  	s8 =	sor.u32 $0x380, s8;
	v24 =	vor.u32 s11, v3;
	v22 =	vld [tilespmem:s22+$0x100];
	s13 =	sadd.s32 $0x10, s13;
	[tilespmem:v19+s30+$0x0] =	vst.idx.msk $0xffff, v18  }
0x1f2: {  	s13 =	sor.u32 $0x300, s13;
	[tilespmem:v20+s30+$0x0] =	vst.idx.msk $0xffff, v21;
	v19 =	vor.u32 s0, v8;
	v18 =	vld [tilespmem:s8+$0x0]  }
0x1f3: {  	v20 =	vor.u32 s5, v7;
	v21 =	vld [tilespmem:s13+$0x0];
	[tilespmem:v23+s30+$0x0] =	vst.idx.msk $0xffff, v25  }
0x1f4: {  	v23 =	vor.u32 s9, v3;
	v25 =	vld [tilespmem:s16+$0x100];
	_ =	sdelay $0x1  }
0x1f5: {  	[tilespmem:v24+s30+$0x0] =	vst.idx.msk $0xffff, v22;
	s14 =	sor.u32 $0x2000, s4  }
0x1f6: {  	s6 =	sor.u32 s7, s6;
	v24 =	vor.u32 s11, v4;
	v22 =	vld [tilespmem:s22+$0x180];
	s15 =	sor.u32 s2, s14;
	[tilespmem:v19+s30+$0x0] =	vst.idx.msk $0xffff, v18  }
0x1f7: {  	s6 =	sor.u32 $0x380, s6;
	[tilespmem:v20+s30+$0x0] =	vst.idx.msk $0xffff, v21;
	v19 =	vor.u32 s0, v9;
	v18 =	vld [tilespmem:s15+$0x0]  }
0x1f8: {  	v20 =	vor.u32 s5, v8;
	v21 =	vld [tilespmem:s6+$0x0];
	[tilespmem:v23+s30+$0x0] =	vst.idx.msk $0xffff, v25  }
0x1f9: {  	v23 =	vor.u32 s9, v4;
	v25 =	vld [tilespmem:s16+$0x180];
	_ =	sdelay $0x1  }
0x1fa: {  	s17 =	sor.u32 $0x2080, s4;
	[tilespmem:v24+s30+$0x0] =	vst.idx.msk $0xffff, v22  }
0x1fb: {  	s19 =	sor.u32 s2, s17;
	v24 =	vor.u32 s11, v5;
	v22 =	vld [tilespmem:s22+$0x200];
	[tilespmem:v19+s30+$0x0] =	vst.idx.msk $0xffff, v18  }
0x1fc: {  	s8 =	sor.u32 s25, s14;
	[tilespmem:v20+s30+$0x0] =	vst.idx.msk $0xffff, v21;
	v19 =	vor.u32 s0, v10;
	v18 =	vld [tilespmem:s19+$0x0]  }
0x1fd: {  	v20 =	vor.u32 s5, v9;
	v21 =	vld [tilespmem:s8+$0x0];
	[tilespmem:v23+s30+$0x0] =	vst.idx.msk $0xffff, v25  }
0x1fe: {  	v23 =	vor.u32 s9, v5;
	v25 =	vld [tilespmem:s16+$0x200];
	_ =	sdelay $0x1  }
0x1ff: {  	[tilespmem:v24+s30+$0x0] =	vst.idx.msk $0xffff, v22;
	s19 =	sor.u32 $0x2100, s4  }
0x200: {  	s21 =	simm.s32 $0x2;
	s12 =	simm.s32 $0x40;
	s23 =	sor.u32 s2, s19;
	[tilespmem:v19+s30+$0x0] =	vst.idx.msk $0xffff, v18  }
0x201: {  	s21 =	sand.u32 $0x7, s21;
	s26 =	sand.u32 $0x60, s12;
	s6 =	sor.u32 s25, s17;
	[tilespmem:v20+s30+$0x0] =	vst.idx.msk $0xffff, v21;
	v19 =	vor.u32 s0, v11;
	v18 =	vld [tilespmem:s23+$0x0]  }
0x202: {  	s14 =	simm.s32 $0x50;
	s13 =	simm.s32 $0x400;
	s15 =	simm.s32 $0x200;
	v20 =	vor.u32 s5, v10;
	v21 =	vld [tilespmem:s6+$0x0];
	[tilespmem:v23+s30+$0x0] =	vst.idx.msk $0xffff, v25  }
0x203: {  	v24 =	vor.u32 s11, v6;
	v22 =	vld [tilespmem:s22+$0x280];
	s28 =	sand.u32 $0x70, s14;
	s17 =	sand.u32 $0xC00, s15;
	[dreg:$0x6] =	wrdreg s26  }
0x204: {  	s22 =	sor.u32 s26, s17;
	s8 =	simm.s32 $0x500;
	v23 =	vor.u32 s9, v6;
	v25 =	vor.u32 s13, v0;
	v26 =	vld [tilespmem:s16+$0x280];
	s16 =	simm.s32 $0x1  }
0x205: {  	v27 =	vor.u32 s8, v0;
	s23 =	sor.u32 s28, s17;
	v25 =	vand.u32 v1, v25;
	s26 =	sor.u32 $0x2180, s4;
	v28 =	vld [tilespmem:s22+$0x0];
	s29 =	sand.u32 $0x3, s16  }
0x206: {  	s21 =	sshll.u32 s21, $0x4;
	v27 =	vand.u32 v17, v27;
	v29 =	vld [tilespmem:s23+$0x0];
	s6 =	sshll.u32 s29, $0x5;
	[tilespmem:v19+s30+$0x0] =	vst.idx.msk $0xffff, v18;
	s29 =	sor.u32 s2, s26  }
0x207: {  	s21 =	sadd.s32 $0x100, s21;
	s19 =	sor.u32 s25, s19;
	[tilespmem:v20+s30+$0x0] =	vst.idx.msk $0xffff, v21;
	v19 =	vor.u32 s0, v12;
	v18 =	vld [tilespmem:s29+$0x0];
	s6 =	sadd.s32 $0x100, s6  }
0x208: {  	s31 =	sadd.s32 $0x10, s21;
	[tilespmem:v24+s30+$0x0] =	vst.idx.msk $0xffff, v22;
	v21 =	vor.u32 s5, v11;
	v20 =	vld [tilespmem:s19+$0x0];
	s6 =	sor.u32 $0x300, s6  }
0x209: {  	s21 =	sor.u32 $0x300, s31;
	v24 =	vor.u32 s11, v7;
	v22 =	vld [tilespmem:s6+$0x0];
	[tilespmem:v23+s30+$0x0] =	vst.idx.msk $0xffff, v26  }
0x20a: {  	v23 =	vor.u32 s9, v7;
	[tilespmem:v25+s30+$0x0] =	vst.idx.msk $0xffff, v28;
	v25 =	vld [tilespmem:s21+$0x0]  }
0x20b: {  	s7 =	smov.u32 s28;
	s28 =	sor.u32 $0x2200, s4;
	v28 =	vor.u32 s13, v2;
	[tilespmem:v27+s30+$0x0] =	vst.idx.msk $0xffff, v29;
	v26 =	vld [tilespmem:s22+$0x80]  }
0x20c: {  	s29 =	sor.u32 s2, s28;
	v27 =	vor.u32 s8, v2;
	v29 =	vld [tilespmem:s23+$0x80];
	[tilespmem:v19+s30+$0x0] =	vst.idx.msk $0xffff, v18  }
0x20d: {  	s20 =	sor.u32 s20, s18;
	s31 =	sor.u32 s25, s26;
	[tilespmem:v21+s30+$0x0] =	vst.idx.msk $0xffff, v20;
	v19 =	vor.u32 s0, v13;
	v18 =	vld [tilespmem:s29+$0x0]  }
0x20e: {  	s10 =	sor.u32 s10, s18;
	s19 =	sor.u32 $0x380, s20;
	v21 =	vor.u32 s5, v12;
	v20 =	vld [tilespmem:s31+$0x0];
	[tilespmem:v24+s30+$0x0] =	vst.idx.msk $0xffff, v22  }
0x20f: {  	s10 =	sor.u32 $0x380, s10;
	v24 =	vor.u32 s11, v8;
	v22 =	vld [tilespmem:s19+$0x0];
	[tilespmem:v23+s30+$0x0] =	vst.idx.msk $0xffff, v25  }
0x210: {  	v23 =	vor.u32 s9, v8;
	[tilespmem:v28+s30+$0x0] =	vst.idx.msk $0xffff, v26;
	v25 =	vld [tilespmem:s10+$0x0]  }
0x211: {  	s20 =	sor.u32 $0x2280, s4;
	v28 =	vor.u32 s13, v3;
	[tilespmem:v27+s30+$0x0] =	vst.idx.msk $0xffff, v29;
	v26 =	vld [tilespmem:s22+$0x100]  }
0x212: {  	v31 =	vor.u32 s8, v3;
	s21 =	sor.u32 s2, s20;
	v32 =	vld [tilespmem:s23+$0x100];
	[tilespmem:v19+s30+$0x0] =	vst.idx.msk $0xffff, v18  }
0x213: {  	v34 =	vor.u32 s0, v14;
	s26 =	sor.u32 $0x2000, s3;
	s6 =	sor.u32 s25, s28;
	[tilespmem:v21+s30+$0x0] =	vst.idx.msk $0xffff, v20;
	v33 =	vld [tilespmem:s21+$0x0]  }
0x214: {  	v35 =	vor.u32 s5, v13;
	v49 =	vor.u32 s0, v15;
	s28 =	sor.u32 s1, s26;
	[tilespmem:v24+s30+$0x0] =	vst.idx.msk $0xffff, v22;
	v24 =	vld [tilespmem:s6+$0x0]  }
0x215: {  	v40 =	vor.u32 s11, v9;
	v42 =	vor.u32 s9, v9;
	v30 =	vor.u32 s9, v10;
	s18 =	sor.u32 s24, s26;
	v38 =	vld [tilespmem:s28+$0x0];
	[tilespmem:v23+s30+$0x0] =	vst.idx.msk $0xffff, v25  }
0x216: {  	v45 =	vor.u32 s13, v4;
	v46 =	vor.u32 s8, v4;
	[tilespmem:v28+s30+$0x0] =	vst.idx.msk $0xffff, v26;
	v26 =	vld [tilespmem:s18+$0x0]  }
0x217: {  	v39 =	vor.u32 s8, v5;
	v37 =	vor.u32 s8, v6;
	v36 =	vor.u32 s8, v7;
	s29 =	simm.s32 $0x4;
	s31 =	sor.u32 $0x2300, s4;
	[tilespmem:v31+s30+$0x0] =	vst.idx.msk $0xffff, v32;
	v44 =	vld [tilespmem:s22+$0x180]  }
0x218: {  	s19 =	sor.u32 s2, s31;
	v21 =	vor.u32 s5, v14;
	v19 =	vor.u32 s5, v15;
	v18 =	vor.u32 s5, v16;
	s5 =	sand.u32 $0x7, s29;
	v47 =	vld [tilespmem:s23+$0x180];
	[tilespmem:v34+s30+$0x0] =	vst.idx.msk $0xffff, v33  }
0x219: {  	s20 =	sor.u32 s25, s20;
	v29 =	vor.u32 s9, v11;
	v27 =	vor.u32 s9, v12;
	v20 =	vor.u32 s9, v16;
	s5 =	sshll.u32 s5, $0x4;
	s21 =	sor.u32 $0x2080, s3;
	v48 =	vld [tilespmem:s19+$0x0];
	[tilespmem:v35+s30+$0x0] =	vst.idx.msk $0xffff, v24  }
0x21a: {  	v22 =	vor.u32 s9, v15;
	s5 =	sadd.s32 $0x200, s5;
	s26 =	sor.u32 s1, s21;
	v25 =	vor.u32 s9, v13;
	v23 =	vor.u32 s9, v14;
	[tilespmem:v40+s30+$0x0] =	vst.idx.msk $0xffff, v38;
	v41 =	vld [tilespmem:s20+$0x0]  }
0x21b: {  	s29 =	sor.u32 s24, s21;
	s5 =	sadd.s32 $0x10, s5;
	s28 =	sor.u32 s14, s15;
	v32 =	vor.u32 s8, v11;
	v31 =	vor.u32 s8, v12;
	v28 =	vor.u32 s8, v13;
	v43 =	vld [tilespmem:s26+$0x0];
	[tilespmem:v42+s30+$0x0] =	vst.idx.msk $0xffff, v26  }
0x21c: {  	s10 =	simm.s32 $0x4;
	s5 =	sor.u32 $0x300, s5;
	s9 =	sor.u32 $0x380, s28;
	v34 =	vor.u32 s8, v8;
	v33 =	vor.u32 s8, v9;
	v35 =	vor.u32 s8, v14;
	[tilespmem:v45+s30+$0x0] =	vst.idx.msk $0xffff, v44;
	v42 =	vld [tilespmem:s29+$0x0]  }
0x21d: {  	v24 =	vor.u32 s8, v16;
	v38 =	vor.u32 s8, v10;
	s20 =	sor.u32 s25, s31;
	s31 =	sor.u32 $0x2380, s4;
	s4 =	simm.s32 $0x6;
	v26 =	vor.u32 s8, v15;
	[tilespmem:v46+s30+$0x0] =	vst.idx.msk $0xffff, v47;
	v45 =	vld [tilespmem:s22+$0x200]  }
0x21e: {  	v44 =	vor.u32 s11, v10;
	v47 =	vor.u32 s13, v5;
	s18 =	sor.u32 s2, s31;
	s25 =	sor.u32 s25, s31;
	s2 =	simm.s32 $0x200;
	v46 =	vld [tilespmem:s23+$0x200];
	[tilespmem:v49+s30+$0x0] =	vst.idx.msk $0xffff, v48  }
.LBB2_14:
0x21f: {  	_ =	sdelay $0x2  }
0x220: {  	s6 =	sand.u32 $0x7, s4;
	s19 =	sor.u32 $0x2100, s3;
	v48 =	vld [tilespmem:s18+$0x0];
	v49 =	vor.u32 s0, v16;
	[tilespmem:v21+s30+$0x0] =	vst.idx.msk $0xffff, v41  }
0x221: {  	s0 =	smov.u32 s11;
	s8 =	sadd.s32 $0x200, s8;
	s18 =	sor.u32 s1, s19;
	[tilespmem:v44+s30+$0x0] =	vst.idx.msk $0xffff, v43;
	v59 =	vld [tilespmem:s20+$0x0]  }
0x222: {  	s14 =	sadd.s32 $0x20, s14;
	s15 =	sadd.s32 $0x100, s15;
	s21 =	sor.u32 s24, s19;
	v44 =	vor.u32 s0, v11;
	[tilespmem:v30+s30+$0x0] =	vst.idx.msk $0xffff, v42;
	v43 =	vld [tilespmem:s18+$0x0]  }
0x223: {  	s16 =	sadd.s32 $0x1, s16;
	s31 =	sshll.u32 s6, $0x4;
	s20 =	sadd.s32 $0xFFFFFFF0, s14;
	[tilespmem:v47+s30+$0x0] =	vst.idx.msk $0xffff, v45;
	v61 =	vld [tilespmem:s21+$0x0]  }
0x224: {  	v52 =	vor.u32 s13, v6;
	s6 =	sadd.s32 $0xFFFFFF00, s8;
	s21 =	sand.u32 $0x60, s20;
	s18 =	sand.u32 $0xC00, s15;
	[tilespmem:v39+s30+$0x0] =	vst.idx.msk $0xffff, v46;
	v51 =	vld [tilespmem:s22+$0x280]  }
0x225: {  	s29 =	sor.u32 $0x2180, s3;
	s19 =	sand.u32 $0x70, s14;
	v62 =	vor.u32 s6, v0;
	s22 =	sor.u32 s21, s18;
	v53 =	vld [tilespmem:s23+$0x280];
	[tilespmem:v49+s30+$0x0] =	vst.idx.msk $0xffff, v48  }
0x226: {  	s28 =	simm.s32 $0x8000;
	v60 =	vor.u32 s8, v0;
	s26 =	sand.u32 $0x3, s16;
	v63 =	vand.u32 v1, v62;
	s23 =	sor.u32 s19, s18;
	v48 =	vld [tilespmem:s22+$0x0];
	[tilespmem:v19+s30+$0x0] =	vst.idx.msk $0xffff, v59  }
0x227: {  	s11 =	sadd.s32 s15, s31;
	s26 =	sshll.u32 s26, $0x5;
	v47 =	vand.u32 v17, v60;
	v56 =	vld [tilespmem:s23+$0x0];
	[tilespmem:v44+s30+$0x0] =	vst.idx.msk $0xffff, v43;
	s30 =	sor.u32 s1, s29  }
0x228: {  	v58 =	vor.u32 s0, v12;
	s11 =	sadd.s32 $0x10, s11;
	s26 =	sadd.s32 s26, s2;
	[tilespmem:v29+s28+$0x0] =	vst.idx.msk $0xffff, v61;
	v57 =	vld [tilespmem:s30+$0x0]  }
0x229: {  	s26 =	sor.u32 $0x300, s26;
	s30 =	sor.u32 $0x300, s11;
	[tilespmem:v52+s28+$0x0] =	vst.idx.msk $0xffff, v51;
	v62 =	vld [tilespmem:s25+$0x0]  }
0x22a: {  	v46 =	vor.u32 s8, v6;
	v59 =	vor.u32 s13, v7;
	[tilespmem:v37+s28+$0x0] =	vst.idx.msk $0xffff, v53;
	s11 =	smov.u32 s13;
	s13 =	smov.u32 s6;
	s6 =	smov.u32 s1;
	v52 =	vld [tilespmem:s26+$0x0]  }
0x22b: {  	v37 =	vmov v46;
	s25 =	smov.u32 s21;
	s26 =	sor.u32 s24, s29;
	[tilespmem:v63+s28+$0x0] =	vst.idx.msk $0xffff, v48;
	v46 =	vld [tilespmem:s5+$0x0];
	s29 =	rddreg [dreg:$0x6]  }
0x22c: {  	[dreg:$0x6] =	wrdreg s25;
	v63 =	vor.u32 s13, v2;
	s1 =	smov.u32 s29;
	v48 =	vld [tilespmem:s22+$0x80];
	s29 =	sor.u32 $0x2200, s3;
	[tilespmem:v47+s28+$0x0] =	vst.idx.msk $0xffff, v56  }
0x22d: {  	v50 =	vor.u32 s8, v2;
	s25 =	smov.u32 s24;
	s24 =	smov.u32 s7;
	s21 =	sor.u32 s6, s29;
	v47 =	vld [tilespmem:s23+$0x80];
	[tilespmem:v58+s28+$0x0] =	vst.idx.msk $0xffff, v57  }
0x22e: {  	v60 =	vor.u32 s8, v11;
	s7 =	smov.u32 s19;
	s19 =	sor.u32 s12, s2;
	s12 =	smov.u32 s20;
	v56 =	vor.u32 s0, v13;
	[tilespmem:v18+s28+$0x0] =	vst.idx.msk $0xffff, v62;
	v53 =	vld [tilespmem:s21+$0x0]  }
0x22f: {  	v29 =	vmov v32;
	v32 =	vmov v60;
	v61 =	vor.u32 s8, v16;
	s5 =	smov.u32 s30;
	s30 =	simm.s32 $0x8000;
	s20 =	sor.u32 $0x380, s19;
	[tilespmem:v59+s28+$0x0] =	vst.idx.msk $0xffff, v52;
	v60 =	vld [tilespmem:s26+$0x0]  }
0x230: {  	v18 =	vmovc v20;
	v20 =	vmov v24;
	v24 =	vmov v61;
	v62 =	vor.u32 s11, v8;
	[tilespmem:v36+s30+$0x0] =	vst.idx.msk $0xffff, v46;
	v61 =	vld [tilespmem:s20+$0x0]  }
0x231: {  	[tilespmem:v63+s30+$0x0] =	vst.idx.msk $0xffff, v48;
	v46 =	vld [tilespmem:s9+$0x0]  }
0x232: {  	s21 =	sor.u32 $0x2280, s3;
	v63 =	vor.u32 s13, v3;
	v48 =	vld [tilespmem:s22+$0x100];
	[tilespmem:v50+s30+$0x0] =	vst.idx.msk $0xffff, v47  }
0x233: {  	v41 =	vor.u32 s8, v3;
	s31 =	sor.u32 s14, s15;
	s26 =	sor.u32 s6, s21;
	v47 =	vld [tilespmem:s23+$0x100];
	[tilespmem:v56+s30+$0x0] =	vst.idx.msk $0xffff, v53  }
0x234: {  	s31 =	sor.u32 $0x380, s31;
	s29 =	sor.u32 s25, s29;
	v57 =	vor.u32 s0, v14;
	s28 =	sor.u32 $0x2000, s17;
	[tilespmem:v27+s30+$0x0] =	vst.idx.msk $0xffff, v60;
	v56 =	vld [tilespmem:s26+$0x0]  }
0x235: {  	s9 =	smov.u32 s31;
	s31 =	sor.u32 s1, s28;
	[tilespmem:v62+s30+$0x0] =	vst.idx.msk $0xffff, v61;
	v58 =	vld [tilespmem:s29+$0x0]  }
0x236: {  	s19 =	sor.u32 s25, s21;
	s21 =	sor.u32 s24, s28;
	v60 =	vor.u32 s11, v9;
	[tilespmem:v34+s30+$0x0] =	vst.idx.msk $0xffff, v46;
	v59 =	vld [tilespmem:s31+$0x0]  }
0x237: {  	[tilespmem:v63+s30+$0x0] =	vst.idx.msk $0xffff, v48;
	v46 =	vld [tilespmem:s21+$0x0]  }
0x238: {  	v61 =	vor.u32 s13, v4;
	s21 =	sor.u32 $0x2300, s3;
	v48 =	vld [tilespmem:s22+$0x180];
	[tilespmem:v41+s30+$0x0] =	vst.idx.msk $0xffff, v47  }
0x239: {  	s10 =	sadd.s32 $0x2, s10;
	v40 =	vor.u32 s8, v4;
	s26 =	sor.u32 s6, s21;
	v62 =	vld [tilespmem:s23+$0x180];
	[tilespmem:v57+s30+$0x0] =	vst.idx.msk $0xffff, v56  }
0x23a: {  	p2 =	slt.u32 s10, $0x1E;
	s28 =	sor.u32 $0x2080, s17;
	v63 =	vor.u32 s0, v15;
	[tilespmem:v25+s30+$0x0] =	vst.idx.msk $0xffff, v58;
	v50 =	vld [tilespmem:s26+$0x0]  }
.Ltmp11:
0x23b: {  	v54 =	vor.u32 s8, v7;
	v55 =	vor.u32 s8, v8;
	v43 =	vor.u32 s8, v12;
	s29 =	sor.u32 s1, s28;
	[tilespmem:v60+s30+$0x0] =	vst.idx.msk $0xffff, v59;
	v41 =	vld [tilespmem:s19+$0x0];
	(pc) =	sbr.rel @p2 .LBB2_14-.Ltmp11, $4  }
0x23c: {  	v21 =	vmovc v23;
	v23 =	vmovc v35;
	v42 =	vor.u32 s8, v9;
	v27 =	vmov v31;
	v31 =	vmov v43;
	s26 =	sor.u32 s24, s28;
	[tilespmem:v33+s30+$0x0] =	vst.idx.msk $0xffff, v46;
	v43 =	vld [tilespmem:s29+$0x0]  }
0x23d: {  	s4 =	sadd.s32 $0x2, s4;
	v35 =	vor.u32 s8, v14;
	v30 =	vmovc v38;
	v38 =	vor.u32 s8, v10;
	v39 =	vor.u32 s8, v5;
	s2 =	smov.u32 s15;
	v33 =	vmovc v42;
	[tilespmem:v61+s30+$0x0] =	vst.idx.msk $0xffff, v48;
	v42 =	vld [tilespmem:s26+$0x0]  }
0x23e: {  	v19 =	vmovc v22;
	v22 =	vmovc v26;
	v26 =	vor.u32 s8, v15;
	v44 =	vor.u32 s8, v13;
	v36 =	vmov v54;
	s31 =	sor.u32 $0x2380, s3;
	s3 =	smov.u32 s17;
	s17 =	smov.u32 s18;
	v45 =	vld [tilespmem:s22+$0x200];
	[tilespmem:v40+s30+$0x0] =	vst.idx.msk $0xffff, v62  }
0x23f: {  	v34 =	vmovc v55;
	s20 =	sor.u32 s25, s21;
	s18 =	sor.u32 s6, s31;
	s25 =	sor.u32 s25, s31;
	v47 =	vor.u32 s13, v5;
	v25 =	vmovc v28;
	v28 =	vmov v44;
	v44 =	vor.u32 s11, v10;
	v46 =	vld [tilespmem:s23+$0x200];
	[tilespmem:v63+s30+$0x0] =	vst.idx.msk $0xffff, v50  }
0x240: {  	_ =	sdelay $0x3  }
0x241: {  	[tilespmem:v47+s30+$0x0] =	vst.idx.msk $0xffff, v45  }
0x242: {  	v54 =	vor.u32 s13, v6;
	v40 =	vld [tilespmem:s22+$0x280];
	[tilespmem:v39+s30+$0x0] =	vst.idx.msk $0xffff, v46  }
0x243: {  	s4 =	sadd.s32 $0x1, s16;
	v39 =	vld [tilespmem:s23+$0x280]  }
0x244: {  	s4 =	sand.u32 $0x3, s4  }
0x245: {  	s4 =	sshll.u32 s4, $0x5  }
0x246: {  	s4 =	sadd.s32 s4, s2  }
0x247: {  	s4 =	sor.u32 $0x300, s4;
	[tilespmem:v54+s30+$0x0] =	vst.idx.msk $0xffff, v40  }
0x248: {  	v55 =	vor.u32 s13, v7;
	v40 =	vld [tilespmem:s4+$0x0];
	[tilespmem:v37+s30+$0x0] =	vst.idx.msk $0xffff, v39  }
0x249: {  	v37 =	vld [tilespmem:s5+$0x0];
	_ =	sdelay $0x2  }
0x24a: {  	s8 =	sor.u32 s12, s2  }
0x24b: {  	s2 =	sor.u32 $0x380, s8;
	[tilespmem:v55+s30+$0x0] =	vst.idx.msk $0xffff, v40  }
0x24c: {  	v57 =	vor.u32 s13, v8;
	v56 =	vld [tilespmem:s2+$0x0];
	[tilespmem:v36+s30+$0x0] =	vst.idx.msk $0xffff, v37  }
0x24d: {  	v36 =	vld [tilespmem:s9+$0x0];
	_ =	sdelay $0x3  }
0x24e: {  	s9 =	sor.u32 $0x2000, s17;
	[tilespmem:v57+s30+$0x0] =	vst.idx.msk $0xffff, v56  }
0x24f: {  	s2 =	sor.u32 s7, s9;
	s12 =	rddreg [dreg:$0x6];
	[tilespmem:v34+s30+$0x0] =	vst.idx.msk $0xffff, v36  }
0x250: {  	s10 =	sor.u32 s12, s9;
	v34 =	vld [tilespmem:s2+$0x0]  }
0x251: {  	v59 =	vor.u32 s13, v9;
	v58 =	vld [tilespmem:s10+$0x0];
	_ =	sdelay $0x2  }
0x252: {  	s14 =	sor.u32 $0x2080, s17  }
0x253: {  	s2 =	sor.u32 s7, s14;
	[tilespmem:v33+s30+$0x0] =	vst.idx.msk $0xffff, v34  }
0x254: {  	s15 =	sor.u32 s12, s14;
	[tilespmem:v59+s30+$0x0] =	vst.idx.msk $0xffff, v58;
	v33 =	vld [tilespmem:s2+$0x0]  }
0x255: {  	v61 =	vor.u32 s13, v10;
	v60 =	vld [tilespmem:s15+$0x0]  }
0x256: {  	s16 =	sor.u32 $0x2100, s3  }
0x257: {  	s19 =	sor.u32 s1, s16;
	[tilespmem:v44+s30+$0x0] =	vst.idx.msk $0xffff, v43  }
0x258: {  	v63 =	vor.u32 s11, v11;
	s21 =	sor.u32 $0x2100, s17;
	[tilespmem:v30+s30+$0x0] =	vst.idx.msk $0xffff, v42;
	v62 =	vld [tilespmem:s19+$0x0];
	s2 =	sor.u32 s24, s16  }
0x259: {  	s4 =	sor.u32 s7, s21;
	v30 =	vld [tilespmem:s2+$0x0];
	[tilespmem:v38+s30+$0x0] =	vst.idx.msk $0xffff, v33  }
0x25a: {  	s22 =	sor.u32 s12, s21;
	[tilespmem:v61+s30+$0x0] =	vst.idx.msk $0xffff, v60;
	v33 =	vld [tilespmem:s4+$0x0]  }
0x25b: {  	v42 =	vor.u32 s13, v11;
	v36 =	vld [tilespmem:s22+$0x0]  }
0x25c: {  	s23 =	sor.u32 $0x2180, s3  }
0x25d: {  	s26 =	sor.u32 s1, s23;
	[tilespmem:v63+s30+$0x0] =	vst.idx.msk $0xffff, v62  }
0x25e: {  	s28 =	sor.u32 $0x2180, s17;
	v43 =	vor.u32 s11, v12;
	v34 =	vld [tilespmem:s26+$0x0];
	s2 =	sor.u32 s24, s23;
	[tilespmem:v29+s30+$0x0] =	vst.idx.msk $0xffff, v30  }
0x25f: {  	s31 =	sor.u32 s7, s28;
	v29 =	vld [tilespmem:s2+$0x0];
	[tilespmem:v32+s30+$0x0] =	vst.idx.msk $0xffff, v33  }
0x260: {  	s29 =	sor.u32 s12, s28;
	[tilespmem:v42+s30+$0x0] =	vst.idx.msk $0xffff, v36;
	v32 =	vld [tilespmem:s31+$0x0]  }
0x261: {  	v45 =	vor.u32 s13, v12;
	v44 =	vld [tilespmem:s29+$0x0]  }
0x262: {  	s4 =	sor.u32 $0x2200, s3  }
0x263: {  	[tilespmem:v43+s30+$0x0] =	vst.idx.msk $0xffff, v34;
	s5 =	sor.u32 s1, s4  }
0x264: {  	s6 =	sor.u32 $0x2200, s17;
	v47 =	vor.u32 s11, v13;
	s2 =	sor.u32 s24, s4;
	v46 =	vld [tilespmem:s5+$0x0];
	[tilespmem:v27+s30+$0x0] =	vst.idx.msk $0xffff, v29  }
0x265: {  	s4 =	sor.u32 s7, s6;
	v27 =	vld [tilespmem:s2+$0x0];
	[tilespmem:v31+s30+$0x0] =	vst.idx.msk $0xffff, v32  }
0x266: {  	s8 =	sor.u32 s12, s6;
	[tilespmem:v45+s30+$0x0] =	vst.idx.msk $0xffff, v44;
	v31 =	vld [tilespmem:s4+$0x0]  }
0x267: {  	v49 =	vor.u32 s13, v13;
	v48 =	vld [tilespmem:s8+$0x0]  }
0x268: {  	s9 =	sor.u32 $0x2280, s3  }
0x269: {  	s10 =	sor.u32 s1, s9;
	[tilespmem:v47+s30+$0x0] =	vst.idx.msk $0xffff, v46  }
0x26a: {  	v51 =	vor.u32 s11, v14;
	s14 =	sor.u32 $0x2280, s17;
	s2 =	sor.u32 s24, s9;
	v50 =	vld [tilespmem:s10+$0x0];
	[tilespmem:v25+s30+$0x0] =	vst.idx.msk $0xffff, v27  }
0x26b: {  	s4 =	sor.u32 s7, s14;
	v25 =	vld [tilespmem:s2+$0x0];
	[tilespmem:v28+s30+$0x0] =	vst.idx.msk $0xffff, v31  }
0x26c: {  	s15 =	sor.u32 s12, s14;
	[tilespmem:v49+s30+$0x0] =	vst.idx.msk $0xffff, v48;
	v28 =	vld [tilespmem:s4+$0x0]  }
0x26d: {  	v53 =	vor.u32 s13, v14;
	v52 =	vld [tilespmem:s15+$0x0]  }
0x26e: {  	[tilespmem:v21+s30+$0x0] =	vst.idx.msk $0xffff, v41;
	s16 =	sor.u32 $0x2300, s3  }
0x26f: {  	v21 =	vld [tilespmem:s20+$0x0];
	s19 =	sor.u32 s1, s16;
	[tilespmem:v51+s30+$0x0] =	vst.idx.msk $0xffff, v50  }
0x270: {  	v55 =	vor.u32 s11, v15;
	s20 =	sor.u32 $0x2300, s17;
	s2 =	sor.u32 s24, s16;
	v54 =	vld [tilespmem:s19+$0x0];
	[tilespmem:v23+s30+$0x0] =	vst.idx.msk $0xffff, v25  }
0x271: {  	s4 =	sor.u32 s7, s20;
	v23 =	vld [tilespmem:s2+$0x0];
	[tilespmem:v35+s30+$0x0] =	vst.idx.msk $0xffff, v28  }
0x272: {  	s21 =	sor.u32 s12, s20;
	[tilespmem:v53+s30+$0x0] =	vst.idx.msk $0xffff, v52;
	v28 =	vld [tilespmem:s4+$0x0]  }
0x273: {  	v57 =	vor.u32 s13, v15;
	v56 =	vld [tilespmem:s21+$0x0]  }
0x274: {  	[tilespmem:v19+s30+$0x0] =	vst.idx.msk $0xffff, v21;
	v58 =	vld [tilespmem:s18+$0x0];
	v59 =	vor.u32 s0, v16;
	s22 =	sor.u32 $0x2380, s3  }
0x275: {  	v19 =	vld [tilespmem:s25+$0x0];
	s23 =	sor.u32 s1, s22;
	[tilespmem:v55+s30+$0x0] =	vst.idx.msk $0xffff, v54  }
0x276: {  	s25 =	sor.u32 $0x2380, s17;
	v61 =	vor.u32 s11, v16;
	s0 =	sor.u32 s24, s22;
	v60 =	vld [tilespmem:s23+$0x0];
	[tilespmem:v22+s30+$0x0] =	vst.idx.msk $0xffff, v23  }
0x277: {  	s1 =	sor.u32 s7, s25;
	v22 =	vld [tilespmem:s0+$0x0];
	[tilespmem:v26+s30+$0x0] =	vst.idx.msk $0xffff, v28  }
0x278: {  	s26 =	sor.u32 s12, s25;
	[tilespmem:v57+s30+$0x0] =	vst.idx.msk $0xffff, v56;
	v26 =	vld [tilespmem:s1+$0x0]  }
0x279: {  	v63 =	vor.u32 s13, v16;
	[tilespmem:v59+s30+$0x0] =	vst.idx.msk $0xffff, v58;
	v62 =	vld [tilespmem:s26+$0x0]  }
0x27a: {  	[tilespmem:v18+s30+$0x0] =	vst.idx.msk $0xffff, v19  }
0x27b: {  	[tilespmem:v61+s30+$0x0] =	vst.idx.msk $0xffff, v60  }
0x27c: {  	[tilespmem:v20+s30+$0x0] =	vst.idx.msk $0xffff, v22  }
0x27d: {  	[tilespmem:v24+s30+$0x0] =	vst.idx.msk $0xffff, v26  }
0x27e: {  	s28 =	simm.s32 $0x0;
	[tilespmem:v63+s30+$0x0] =	vst.idx.msk $0xffff, v62  }
.Ltmp12:
0x27f: {  	s31 =	simm.s32 $0x5;
	s29 =	rddreg [dreg:$0x12];
	(pc) =	sbr.rel .LBB2_17-.Ltmp12, $4  }
0x280: {  	[hbm4b:s29+s28] =	stream.linear.scatter [tilespmem:s30], [sflag:$0x5], $0x2000, $0x38;
	[tilespmem:$0x10400] =	vst v63  }
0x281: {  	_ =	swait.ge [sflag:s31], $0x2000  }
0x282: {  	[sflag:s31] =	ssyncset.done $0x0  }
0x283: {  	s1 =	rddreg [dreg:$0x14];
	[sflag:s31] =	ssyncadd.s32 $0xFFFFE000  }
.LBB2_18:
0x284: {  	_ =	sfence.sel $0x180000  }
0x285: {  	[bflag:$0x0] =	sbarrier.arrive $0xFFFF  }
0x286: {  	_ =	strace $0x90000047  }
0x287: {  	s0 =	stileid.u32;
	[bflag:$0x2] =	sbarrier.arrive $0xFFFF  }
0x288: {  	p0 =	sne.s32 s0, $0x0;
	s0 =	rddreg [dreg:$0x3]  }
0x289: {  	s0 =	sadd.s32 @!p0 $0x100000, s0  }
0x28a: {  	[sflag:s0] =	ssyncadd.tile.s32 @!p0 $0x1;
	_ =	shalt  }
.Lfunc_end2:
_tile_overlayer_lowered:
.L_overlay_start_2:
0x28b: {  	(tag) =	ssettag $0x2  }
0x28c: {  	s0 =	rddreg [dreg:$0x0];
	s2 =	stileid.u32  }
0x28d: {  	s1 =	rddreg [dreg:$0x1];
	p0 =	sne.s32 s2, $0x0  }
0x28e: {  	s3 =	rddreg [dreg:$0x2];
	[bflag:$0x3] =	sbarrier.arrive $0xFFFF;
	s2 =	simm.s32 @!p0 $0x1C05  }
0x28f: {  	[timem:s3], [sflag:s2] =	dma.local @!p0 [hbm:s0], s1  }
0x290: {  	s0 =	simm.s32 @!p0 $0x5  }
0x291: {  	_ =	swait.ge @!p0 [sflag:s0], s1  }
0x292: {  	s1 =	ssub.s32 @!p0 $0x0, s1;
	[sflag:s0] =	ssyncset.done @!p0 $0x0  }
0x293: {  	[sflag:s0] =	ssyncadd.s32 @!p0 s1  }
0x294: {  	[bflag:$0x3] =	sbarrier.arrive $0xFFFF  }
0x295: {  	_ =	shalt  }

</sc_bundles>
